<compile_context>
chip_gen: v7x
topology: tpu7x:2x2x1
jax: 0.10.2.dev20260603
libtpu: 0.0.44.dev20260713+nightly
codegen_flags: <defaults>
</compile_context>

<pallas_src>
import functools

import jax
import jax.numpy as jnp
from jax import lax
from jax.experimental import pallas as pl
from jax.experimental.pallas import tpu as pltpu
from jax.experimental.pallas import tpu_sc as plsc

B = 16384
NV = 21
NDIM = 3
PAD = 32
NPAIR = NV * PAD
NC = 2
NS = 16
LANES = 16
NW = NC * NS
CHUNK = B // NW
NT = B // 128
TPW = NT // NW
TAB_WORDS = PAD * NDIM
AUX = TAB_WORDS + 3 * LANES

_LN2 = 0.6931471805599453


def _ln(x):
    bits = plsc.bitcast(x, jnp.int32)
    e = (bits >> 23) - 127
    m = plsc.bitcast((bits & 0x007FFFFF) | 0x3F800000, jnp.float32)
    t = (m - 1.0) / (m + 1.0)
    t2 = t * t
    poly = 1.0 + t2 * (1.0 / 3.0 + t2 * 0.2)
    return e.astype(jnp.float32) * _LN2 + 2.0 * t * poly


def _sqrt(x):
    bits = plsc.bitcast(x, jnp.int32)
    y = plsc.bitcast(0x5F3759DF - (bits >> 1), jnp.float32)
    for _ in range(3):
        y = y * (1.5 - 0.5 * x * y * y)
    return x * y


STIM_STRIDE = 8 * 128


@functools.partial(
    pl.kernel,
    out_type=(
        jax.ShapeDtypeStruct((NT * 4 * 128,), jnp.float32),
        jax.ShapeDtypeStruct((B,), jnp.float32),
    ),
    mesh=plsc.VectorSubcoreMesh(core_axis_name="c", subcore_axis_name="s"),
    compiler_params=pltpu.CompilerParams(needs_layout_passes=False),
    scratch_types=[
        pltpu.VMEM((TPW * STIM_STRIDE,), jnp.int32),
        pltpu.VMEM((AUX,), jnp.float32),
        pltpu.VMEM((NPAIR,), jnp.float32),
        pltpu.VMEM((NPAIR,), jnp.float32),
        pltpu.VMEM((TPW * 4 * 128,), jnp.float32),
        pltpu.VMEM((CHUNK,), jnp.float32),
        pltpu.SemaphoreType.DMA,
    ],
)
def _sc_rank(stim_hbm, aux_hbm, rank_hbm, rt_hbm,
             stim_v, aux_v, s_v, sl_v, rank_v, rt_v, sem):
    wid = lax.axis_index("s") * NC + lax.axis_index("c")
    stim_dma = pltpu.async_copy(
        stim_hbm.at[pl.ds(wid * (TPW * STIM_STRIDE), TPW * STIM_STRIDE)],
        stim_v, sem)
    pltpu.sync_copy(aux_hbm, aux_v)

    lane = lax.iota(jnp.int32, LANES)

    @plsc.parallel_loop(0, NPAIR // LANES, unroll=4)
    def build(g):
        f = g * LANES + lane
        p3 = (f >> 5) * 3
        i3 = (f & (PAD - 1)) * 3
        d2 = jnp.full((LANES,), 1e-12, jnp.float32)
        for k in range(NDIM):
            diff = (plsc.load_gather(aux_v, [p3 + k])
                    - plsc.load_gather(aux_v, [i3 + k]))
            d2 = d2 + diff * diff
        s = jnp.exp(-10.0 * _sqrt(d2)) + 0.001
        s_v[pl.ds(g * LANES, LANES)] = s
        sl_v[pl.ds(g * LANES, LANES)] = s * _ln(s)

    upper = aux_v[pl.ds(TAB_WORDS, LANES)]
    midpoint = aux_v[pl.ds(TAB_WORDS + LANES, LANES)]
    cmid = jnp.exp(midpoint)
    stim_dma.wait()

    @plsc.parallel_loop(0, TPW * (128 // LANES), unroll=4)
    def body(g):
        bl = (g & 7) * LANES
        base = (g >> 3) * STIM_STRIDE + bl
        q = stim_v[pl.ds(base, LANES)]
        s_j = []
        u_j = []
        for j in range(4):
            r = stim_v[pl.ds(base + (j + 1) * 128, LANES)]
            pidx = (q << 5) + r
            s_j.append(plsc.load_gather(s_v, [pidx]))
            u_j.append(plsc.load_gather(sl_v, [pidx]))
        total = (s_j[0] + s_j[1]) + (s_j[2] + s_j[3])
        usum = (u_j[0] + u_j[1]) + (u_j[2] + u_j[3])
        rinv = 1.0 / total
        obase = (g >> 3) * 512 + bl
        for j in range(4):
            rank_v[pl.ds(obase + j * 128, LANES)] = s_j[j] * rinv
        rt = (upper * total) / (total + cmid * jnp.exp(usum * rinv))
        rt_v[pl.ds(g * LANES, LANES)] = rt

    pltpu.sync_copy(
        rank_v, rank_hbm.at[pl.ds(wid * (TPW * 4 * 128), TPW * 4 * 128)])
    pltpu.sync_copy(rt_v, rt_hbm.at[pl.ds(wid * CHUNK, CHUNK)])


def kernel(given4rank1_stimulus_set, percept_table, upper, midpoint, rate):
    aux = jnp.concatenate([
        jnp.pad(percept_table.astype(jnp.float32).reshape(-1),
                (0, TAB_WORDS - NV * NDIM)),
        jnp.full((LANES,), upper, jnp.float32),
        jnp.full((LANES,), midpoint, jnp.float32),
        jnp.full((LANES,), rate, jnp.float32),
    ])
    stim_flat = jnp.pad(
        jnp.transpose(
            given4rank1_stimulus_set.astype(jnp.int32).reshape(NT, 128, 5),
            (0, 2, 1)),
        ((0, 0), (0, 3), (0, 0))).reshape(-1)
    rank_flat, rt_flat = _sc_rank(stim_flat, aux)
    rank = jnp.transpose(
        rank_flat.reshape(NT, 4, 128), (0, 2, 1)).reshape(B, 4)
    return rank, rt_flat.reshape(B, 1)

# --- scband reference (transcript-rebuilt; emitter-appended) ---
"""Pipeline reference for scband-rank-rtmodel-a-39273180954762 (READ-ONLY COPY).

The authoritative reference and input builder live on the scoring server;
editing this copy changes nothing except your own understanding.
"""

import jax, jax.numpy as jnp
import numpy as np

B = 16384
N_STIM = 20
N_DIM = 3


def setup_inputs(seed: int = 0) -> dict:
    key = jax.random.key(seed)
    k1, k2 = jax.random.split(key)
    # indices in [0, 21); 0 is the mask index in the original keras Embedding(mask_zero=True)
    stim = jax.random.randint(k1, (B, 5), 0, N_STIM + 1)
    # learned parameters
    percept_table = jax.random.normal(k2, (N_STIM + 1, N_DIM), dtype=jnp.float32) * 0.05
    # Logistic response-time layer params (psiz defaults: upper=1, midpoint=0, rate=1)
    upper = jnp.array(1.0, dtype=jnp.float32)
    midpoint = jnp.array(0.0, dtype=jnp.float32)
    rate = jnp.array(1.0, dtype=jnp.float32)
    return {
        "given4rank1_stimulus_set": stim,
        "percept_table": percept_table,
        "upper": upper,
        "midpoint": midpoint,
        "rate": rate,
    }


def reference(given4rank1_stimulus_set, percept_table, upper, midpoint, rate):
    # Embedding lookup (gather)
    z = jnp.take(percept_table, given4rank1_stimulus_set, axis=0)  # [B, 5, 3]
    # split along stimuli axis: 1 query, 4 references
    z_q = z[:, :1, :]   # [B, 1, 3]
    z_r = z[:, 1:, :]   # [B, 4, 3]
    # Minkowski distance, rho=2, w=1 (non-trainable constants)
    d = jnp.sqrt(jnp.sum((z_q - z_r) ** 2, axis=-1) + 1e-12)  # [B, 4]
    # ExponentialSimilarity: beta=10, tau=1, gamma=0.001
    s = jnp.exp(-10.0 * d) + 0.001  # [B, 4]
    # SoftRank with n_select=1: Luce choice rule over the 4 references
    output_rank = s / jnp.sum(s, axis=1, keepdims=True)  # [B, 4]
    # entropy of the rank distribution
    entropy = -jnp.sum(output_rank * jnp.log(output_rank), axis=1, keepdims=True)  # [B, 1]
    # Logistic response-time branch
    output_rt = upper / (1.0 + jnp.exp(-rate * (entropy - midpoint)))  # [B, 1]
    return (output_rank, output_rt)

if __name__ == "__main__":
    import jax
    _d = setup_inputs()
    print(jax.jit(kernel)(*tuple(_d.values())))

</pallas_src>

<mosaic_0001>
#map = affine_map<(d0, d1) -> (0)>
module attributes {stable_mosaic.version = 14 : i64} {
  func.func @_sc_rank(%arg0: i32, %arg1: i32, %arg2: memref<131072xi32, #tpu.memory_space<hbm>>, %arg3: memref<144xf32, #tpu.memory_space<hbm>>, %arg4: memref<65536xf32, #tpu.memory_space<hbm>>, %arg5: memref<16384xf32, #tpu.memory_space<hbm>>, %arg6: memref<4096xi32, #tpu.memory_space<vmem>>, %arg7: memref<144xf32, #tpu.memory_space<vmem>>, %arg8: memref<672xf32, #tpu.memory_space<vmem>>, %arg9: memref<672xf32, #tpu.memory_space<vmem>>, %arg10: memref<2048xf32, #tpu.memory_space<vmem>>, %arg11: memref<512xf32, #tpu.memory_space<vmem>>, %arg12: memref<!tpu.dma_semaphore, #tpu.memory_space<semaphore_mem>>) attributes {dimension_semantics = [#tpu.dimension_semantics<core_parallel>, #tpu.dimension_semantics<subcore_parallel>], iteration_bounds = array<i64: 2, 16>, scalar_prefetch = 0 : i64, scratch_operands = 7 : i64, tpu.core_type = #tpu.core_type<sc_vector_subcore>, window_params = [{transform_indices = #map}, {transform_indices = #map}, {transform_indices = #map}, {transform_indices = #map}]} {
    %mul3A = arith.constant 2 : i32
    %mul3A_0 = arith.muli %arg1, %mul3A : i32
    %add3A = arith.addi %mul3A_0, %arg0 : i32
    %mul3A_1 = arith.constant 4096 : i32
    %mul3A_2 = arith.muli %add3A, %mul3A_1 : i32
    %dma_start3A = tpu.memref_slice %arg2[%mul3A_2] : memref<131072xi32, #tpu.memory_space<hbm>> -> memref<4096xi32, #tpu.memory_space<hbm>>
    %dma_start3A_3 = tpu.memref_slice %arg2[%mul3A_2] : memref<131072xi32, #tpu.memory_space<hbm>> -> memref<4096xi32, #tpu.memory_space<hbm>>
    tpu.enqueue_dma source(%dma_start3A_3 : memref<4096xi32, #tpu.memory_space<hbm>>) target(%arg6 : memref<4096xi32, #tpu.memory_space<vmem>>) target_semaphore(%arg12 : memref<!tpu.dma_semaphore, #tpu.memory_space<semaphore_mem>>)
    "tpu.region"() ({
      %run_scoped3A = tpu.sem_alloc : memref<!tpu.dma_semaphore, #tpu.memory_space<semaphore_mem>>
      tpu.enqueue_dma source(%arg3 : memref<144xf32, #tpu.memory_space<hbm>>) target(%arg7 : memref<144xf32, #tpu.memory_space<vmem>>) target_semaphore(%run_scoped3A : memref<!tpu.dma_semaphore, #tpu.memory_space<semaphore_mem>>)
      tpu.wait_dma2 semaphore(%run_scoped3A : memref<!tpu.dma_semaphore, #tpu.memory_space<semaphore_mem>>) src(%arg3 : memref<144xf32, #tpu.memory_space<hbm>>) dst(%arg7 : memref<144xf32, #tpu.memory_space<vmem>>)
      tpu.yield
    }) : () -> ()
    %iota3A = tpu.iota {dimensions = array<i32: 0>} : vector<16xi32>
    %parallel_loop3A = arith.constant 0 : i32
    %parallel_loop3A_4 = arith.constant 42 : i32
    %parallel_loop3A_5 = arith.constant 1 : i32
    scf.for %parallel_loop3A_17 = %parallel_loop3A to %parallel_loop3A_4 step %parallel_loop3A_5  : i32 {
      %parallel_loop3A_18 = arith.constant 16 : i32
      %parallel_loop3A_19 = arith.muli %parallel_loop3A_17, %parallel_loop3A_18 : i32
      %parallel_loop3A_20 = vector.broadcast %parallel_loop3A_19 : i32 to vector<16xi32>
      %parallel_loop3A_21 = arith.addi %parallel_loop3A_20, %iota3A : vector<16xi32>
      %parallel_loop3A_22 = arith.constant 5 : i32
      %parallel_loop3A_23 = vector.broadcast %parallel_loop3A_22 : i32 to vector<16xi32>
      %parallel_loop3A_24 = arith.shrsi %parallel_loop3A_21, %parallel_loop3A_23 : vector<16xi32>
      %parallel_loop3A_25 = arith.constant 3 : i32
      %parallel_loop3A_26 = vector.broadcast %parallel_loop3A_25 : i32 to vector<16xi32>
      %parallel_loop3A_27 = arith.muli %parallel_loop3A_24, %parallel_loop3A_26 : vector<16xi32>
      %parallel_loop3A_28 = arith.constant 31 : i32
      %parallel_loop3A_29 = vector.broadcast %parallel_loop3A_28 : i32 to vector<16xi32>
      %parallel_loop3A_30 = arith.andi %parallel_loop3A_21, %parallel_loop3A_29 : vector<16xi32>
      %parallel_loop3A_31 = arith.constant 3 : i32
      %parallel_loop3A_32 = vector.broadcast %parallel_loop3A_31 : i32 to vector<16xi32>
      %parallel_loop3A_33 = arith.muli %parallel_loop3A_30, %parallel_loop3A_32 : vector<16xi32>
      %parallel_loop3A_34 = arith.constant 9.99999996E-13 : f32
      %parallel_loop3A_35 = vector.broadcast %parallel_loop3A_34 : f32 to vector<16xf32>
      %parallel_loop3A_36 = arith.constant 0 : i32
      %parallel_loop3A_37 = vector.broadcast %parallel_loop3A_36 : i32 to vector<16xi32>
      %parallel_loop3A_38 = arith.addi %parallel_loop3A_27, %parallel_loop3A_37 : vector<16xi32>
      %parallel_loop3A_39 = tpu.vector_load_idx %arg7[%parallel_loop3A_38] : memref<144xf32, #tpu.memory_space<vmem>>[vector<16xi32>], vector<16xf32>,
      %parallel_loop3A_40 = arith.constant 0 : i32
      %parallel_loop3A_41 = vector.broadcast %parallel_loop3A_40 : i32 to vector<16xi32>
      %parallel_loop3A_42 = arith.addi %parallel_loop3A_33, %parallel_loop3A_41 : vector<16xi32>
      %parallel_loop3A_43 = tpu.vector_load_idx %arg7[%parallel_loop3A_42] : memref<144xf32, #tpu.memory_space<vmem>>[vector<16xi32>], vector<16xf32>,
      %parallel_loop3A_44 = arith.subf %parallel_loop3A_39, %parallel_loop3A_43 : vector<16xf32>
      %parallel_loop3A_45 = arith.mulf %parallel_loop3A_44, %parallel_loop3A_44 : vector<16xf32>
      %parallel_loop3A_46 = arith.addf %parallel_loop3A_35, %parallel_loop3A_45 : vector<16xf32>
      %parallel_loop3A_47 = arith.constant 1 : i32
      %parallel_loop3A_48 = vector.broadcast %parallel_loop3A_47 : i32 to vector<16xi32>
      %parallel_loop3A_49 = arith.addi %parallel_loop3A_27, %parallel_loop3A_48 : vector<16xi32>
      %parallel_loop3A_50 = tpu.vector_load_idx %arg7[%parallel_loop3A_49] : memref<144xf32, #tpu.memory_space<vmem>>[vector<16xi32>], vector<16xf32>,
      %parallel_loop3A_51 = arith.constant 1 : i32
      %parallel_loop3A_52 = vector.broadcast %parallel_loop3A_51 : i32 to vector<16xi32>
      %parallel_loop3A_53 = arith.addi %parallel_loop3A_33, %parallel_loop3A_52 : vector<16xi32>
      %parallel_loop3A_54 = tpu.vector_load_idx %arg7[%parallel_loop3A_53] : memref<144xf32, #tpu.memory_space<vmem>>[vector<16xi32>], vector<16xf32>,
      %parallel_loop3A_55 = arith.subf %parallel_loop3A_50, %parallel_loop3A_54 : vector<16xf32>
      %parallel_loop3A_56 = arith.mulf %parallel_loop3A_55, %parallel_loop3A_55 : vector<16xf32>
      %parallel_loop3A_57 = arith.addf %parallel_loop3A_46, %parallel_loop3A_56 : vector<16xf32>
      %parallel_loop3A_58 = arith.constant 2 : i32
      %parallel_loop3A_59 = vector.broadcast %parallel_loop3A_58 : i32 to vector<16xi32>
      %parallel_loop3A_60 = arith.addi %parallel_loop3A_27, %parallel_loop3A_59 : vector<16xi32>
      %parallel_loop3A_61 = tpu.vector_load_idx %arg7[%parallel_loop3A_60] : memref<144xf32, #tpu.memory_space<vmem>>[vector<16xi32>], vector<16xf32>,
      %parallel_loop3A_62 = arith.constant 2 : i32
      %parallel_loop3A_63 = vector.broadcast %parallel_loop3A_62 : i32 to vector<16xi32>
      %parallel_loop3A_64 = arith.addi %parallel_loop3A_33, %parallel_loop3A_63 : vector<16xi32>
      %parallel_loop3A_65 = tpu.vector_load_idx %arg7[%parallel_loop3A_64] : memref<144xf32, #tpu.memory_space<vmem>>[vector<16xi32>], vector<16xf32>,
      %parallel_loop3A_66 = arith.subf %parallel_loop3A_61, %parallel_loop3A_65 : vector<16xf32>
      %parallel_loop3A_67 = arith.mulf %parallel_loop3A_66, %parallel_loop3A_66 : vector<16xf32>
      %parallel_loop3A_68 = arith.addf %parallel_loop3A_57, %parallel_loop3A_67 : vector<16xf32>
      %parallel_loop3A_69 = vector.bitcast %parallel_loop3A_68 : vector<16xf32> to vector<16xi32>
      %parallel_loop3A_70 = arith.constant 1 : i32
      %parallel_loop3A_71 = vector.broadcast %parallel_loop3A_70 : i32 to vector<16xi32>
      %parallel_loop3A_72 = arith.shrsi %parallel_loop3A_69, %parallel_loop3A_71 : vector<16xi32>
      %parallel_loop3A_73 = arith.constant 1597463007 : i32
      %parallel_loop3A_74 = vector.broadcast %parallel_loop3A_73 : i32 to vector<16xi32>
      %parallel_loop3A_75 = arith.subi %parallel_loop3A_74, %parallel_loop3A_72 : vector<16xi32>
      %parallel_loop3A_76 = vector.bitcast %parallel_loop3A_75 : vector<16xi32> to vector<16xf32>
      %parallel_loop3A_77 = arith.constant 5.000000e-01 : f32
      %parallel_loop3A_78 = vector.broadcast %parallel_loop3A_77 : f32 to vector<16xf32>
      %parallel_loop3A_79 = arith.mulf %parallel_loop3A_78, %parallel_loop3A_68 : vector<16xf32>
      %parallel_loop3A_80 = arith.mulf %parallel_loop3A_79, %parallel_loop3A_76 : vector<16xf32>
      %parallel_loop3A_81 = arith.mulf %parallel_loop3A_80, %parallel_loop3A_76 : vector<16xf32>
      %parallel_loop3A_82 = arith.constant 1.500000e+00 : f32
      %parallel_loop3A_83 = vector.broadcast %parallel_loop3A_82 : f32 to vector<16xf32>
      %parallel_loop3A_84 = arith.subf %parallel_loop3A_83, %parallel_loop3A_81 : vector<16xf32>
      %parallel_loop3A_85 = arith.mulf %parallel_loop3A_76, %parallel_loop3A_84 : vector<16xf32>
      %parallel_loop3A_86 = arith.constant 5.000000e-01 : f32
      %parallel_loop3A_87 = vector.broadcast %parallel_loop3A_86 : f32 to vector<16xf32>
      %parallel_loop3A_88 = arith.mulf %parallel_loop3A_87, %parallel_loop3A_68 : vector<16xf32>
      %parallel_loop3A_89 = arith.mulf %parallel_loop3A_88, %parallel_loop3A_85 : vector<16xf32>
      %parallel_loop3A_90 = arith.mulf %parallel_loop3A_89, %parallel_loop3A_85 : vector<16xf32>
      %parallel_loop3A_91 = arith.constant 1.500000e+00 : f32
      %parallel_loop3A_92 = vector.broadcast %parallel_loop3A_91 : f32 to vector<16xf32>
      %parallel_loop3A_93 = arith.subf %parallel_loop3A_92, %parallel_loop3A_90 : vector<16xf32>
      %parallel_loop3A_94 = arith.mulf %parallel_loop3A_85, %parallel_loop3A_93 : vector<16xf32>
      %parallel_loop3A_95 = arith.constant 5.000000e-01 : f32
      %parallel_loop3A_96 = vector.broadcast %parallel_loop3A_95 : f32 to vector<16xf32>
      %parallel_loop3A_97 = arith.mulf %parallel_loop3A_96, %parallel_loop3A_68 : vector<16xf32>
      %parallel_loop3A_98 = arith.mulf %parallel_loop3A_97, %parallel_loop3A_94 : vector<16xf32>
      %parallel_loop3A_99 = arith.mulf %parallel_loop3A_98, %parallel_loop3A_94 : vector<16xf32>
      %parallel_loop3A_100 = arith.constant 1.500000e+00 : f32
      %parallel_loop3A_101 = vector.broadcast %parallel_loop3A_100 : f32 to vector<16xf32>
      %parallel_loop3A_102 = arith.subf %parallel_loop3A_101, %parallel_loop3A_99 : vector<16xf32>
      %parallel_loop3A_103 = arith.mulf %parallel_loop3A_94, %parallel_loop3A_102 : vector<16xf32>
      %parallel_loop3A_104 = arith.mulf %parallel_loop3A_68, %parallel_loop3A_103 : vector<16xf32>
      %parallel_loop3A_105 = arith.constant -1.000000e+01 : f32
      %parallel_loop3A_106 = vector.broadcast %parallel_loop3A_105 : f32 to vector<16xf32>
      %parallel_loop3A_107 = arith.mulf %parallel_loop3A_106, %parallel_loop3A_104 : vector<16xf32>
      %parallel_loop3A_108 = math.exp %parallel_loop3A_107 : vector<16xf32>
      %parallel_loop3A_109 = arith.constant 1.000000e-03 : f32
      %parallel_loop3A_110 = vector.broadcast %parallel_loop3A_109 : f32 to vector<16xf32>
      %parallel_loop3A_111 = arith.addf %parallel_loop3A_108, %parallel_loop3A_110 : vector<16xf32>
      %parallel_loop3A_112 = arith.constant 16 : i32
      %parallel_loop3A_113 = arith.muli %parallel_loop3A_17, %parallel_loop3A_112 : i32
      %parallel_loop3A_114 = arith.index_cast %parallel_loop3A_113 : i32 to index
      %parallel_loop3A_115 = tpu.vector_load %arg8[%parallel_loop3A_114] {strides = array<i32>} : memref<672xf32, #tpu.memory_space<vmem>>, vector<16xf32>,
      tpu.vector_store %arg8[%parallel_loop3A_114], %parallel_loop3A_111 {strides = array<i32>} : memref<672xf32, #tpu.memory_space<vmem>>, vector<16xf32>,
      %parallel_loop3A_116 = vector.bitcast %parallel_loop3A_111 : vector<16xf32> to vector<16xi32>
      %parallel_loop3A_117 = arith.constant 23 : i32
      %parallel_loop3A_118 = vector.broadcast %parallel_loop3A_117 : i32 to vector<16xi32>
      %parallel_loop3A_119 = arith.shrsi %parallel_loop3A_116, %parallel_loop3A_118 : vector<16xi32>
      %parallel_loop3A_120 = arith.constant 127 : i32
      %parallel_loop3A_121 = vector.broadcast %parallel_loop3A_120 : i32 to vector<16xi32>
      %parallel_loop3A_122 = arith.subi %parallel_loop3A_119, %parallel_loop3A_121 : vector<16xi32>
      %parallel_loop3A_123 = arith.constant 8388607 : i32
      %parallel_loop3A_124 = vector.broadcast %parallel_loop3A_123 : i32 to vector<16xi32>
      %parallel_loop3A_125 = arith.andi %parallel_loop3A_116, %parallel_loop3A_124 : vector<16xi32>
      %parallel_loop3A_126 = arith.constant 1065353216 : i32
      %parallel_loop3A_127 = vector.broadcast %parallel_loop3A_126 : i32 to vector<16xi32>
      %parallel_loop3A_128 = arith.ori %parallel_loop3A_125, %parallel_loop3A_127 : vector<16xi32>
      %parallel_loop3A_129 = vector.bitcast %parallel_loop3A_128 : vector<16xi32> to vector<16xf32>
      %parallel_loop3A_130 = arith.constant 1.000000e+00 : f32
      %parallel_loop3A_131 = vector.broadcast %parallel_loop3A_130 : f32 to vector<16xf32>
      %parallel_loop3A_132 = arith.subf %parallel_loop3A_129, %parallel_loop3A_131 : vector<16xf32>
      %parallel_loop3A_133 = arith.constant 1.000000e+00 : f32
      %parallel_loop3A_134 = vector.broadcast %parallel_loop3A_133 : f32 to vector<16xf32>
      %parallel_loop3A_135 = arith.addf %parallel_loop3A_129, %parallel_loop3A_134 : vector<16xf32>
      %parallel_loop3A_136 = arith.divf %parallel_loop3A_132, %parallel_loop3A_135 : vector<16xf32>
      %parallel_loop3A_137 = arith.mulf %parallel_loop3A_136, %parallel_loop3A_136 : vector<16xf32>
      %parallel_loop3A_138 = arith.constant 2.000000e-01 : f32
      %parallel_loop3A_139 = vector.broadcast %parallel_loop3A_138 : f32 to vector<16xf32>
      %parallel_loop3A_140 = arith.mulf %parallel_loop3A_137, %parallel_loop3A_139 : vector<16xf32>
      %parallel_loop3A_141 = arith.constant 0.333333343 : f32
      %parallel_loop3A_142 = vector.broadcast %parallel_loop3A_141 : f32 to vector<16xf32>
      %parallel_loop3A_143 = arith.addf %parallel_loop3A_142, %parallel_loop3A_140 : vector<16xf32>
      %parallel_loop3A_144 = arith.mulf %parallel_loop3A_137, %parallel_loop3A_143 : vector<16xf32>
      %parallel_loop3A_145 = arith.constant 1.000000e+00 : f32
      %parallel_loop3A_146 = vector.broadcast %parallel_loop3A_145 : f32 to vector<16xf32>
      %parallel_loop3A_147 = arith.addf %parallel_loop3A_146, %parallel_loop3A_144 : vector<16xf32>
      %parallel_loop3A_148 = arith.sitofp %parallel_loop3A_122 : vector<16xi32> to vector<16xf32>
      %parallel_loop3A_149 = arith.constant 0.693147182 : f32
      %parallel_loop3A_150 = vector.broadcast %parallel_loop3A_149 : f32 to vector<16xf32>
      %parallel_loop3A_151 = arith.mulf %parallel_loop3A_148, %parallel_loop3A_150 : vector<16xf32>
      %parallel_loop3A_152 = arith.constant 2.000000e+00 : f32
      %parallel_loop3A_153 = vector.broadcast %parallel_loop3A_152 : f32 to vector<16xf32>
      %parallel_loop3A_154 = arith.mulf %parallel_loop3A_153, %parallel_loop3A_136 : vector<16xf32>
      %parallel_loop3A_155 = arith.mulf %parallel_loop3A_154, %parallel_loop3A_147 : vector<16xf32>
      %parallel_loop3A_156 = arith.addf %parallel_loop3A_151, %parallel_loop3A_155 : vector<16xf32>
      %parallel_loop3A_157 = arith.mulf %parallel_loop3A_111, %parallel_loop3A_156 : vector<16xf32>
      %parallel_loop3A_158 = arith.constant 16 : i32
      %parallel_loop3A_159 = arith.muli %parallel_loop3A_17, %parallel_loop3A_158 : i32
      %parallel_loop3A_160 = arith.index_cast %parallel_loop3A_159 : i32 to index
      %parallel_loop3A_161 = tpu.vector_load %arg9[%parallel_loop3A_160] {strides = array<i32>} : memref<672xf32, #tpu.memory_space<vmem>>, vector<16xf32>,
      tpu.vector_store %arg9[%parallel_loop3A_160], %parallel_loop3A_157 {strides = array<i32>} : memref<672xf32, #tpu.memory_space<vmem>>, vector<16xf32>,
    } {sc.loop_unroll_factor = 4 : i64, sc.parallel_access}
    %get3A = arith.constant 96 : index
    %get3A_6 = tpu.vector_load %arg7[%get3A] {strides = array<i32>} : memref<144xf32, #tpu.memory_space<vmem>>, vector<16xf32>,
    %get3A_7 = arith.constant 112 : index
    %get3A_8 = tpu.vector_load %arg7[%get3A_7] {strides = array<i32>} : memref<144xf32, #tpu.memory_space<vmem>>, vector<16xf32>,
    %exp3A = math.exp %get3A_8 : vector<16xf32>
    %dma_wait3A = tpu.memref_slice %arg2[%mul3A_2] : memref<131072xi32, #tpu.memory_space<hbm>> -> memref<4096xi32, #tpu.memory_space<hbm>>
    %dma_wait3A_9 = tpu.memref_slice %arg2[%mul3A_2] : memref<131072xi32, #tpu.memory_space<hbm>> -> memref<4096xi32, #tpu.memory_space<hbm>>
    tpu.wait_dma2 semaphore(%arg12 : memref<!tpu.dma_semaphore, #tpu.memory_space<semaphore_mem>>) src(%dma_wait3A_9 : memref<4096xi32, #tpu.memory_space<hbm>>) dst(%arg6 : memref<4096xi32, #tpu.memory_space<vmem>>)
    %parallel_loop3A_10 = arith.constant 0 : i32
    %parallel_loop3A_11 = arith.constant 32 : i32
    %parallel_loop3A_12 = arith.constant 1 : i32
    scf.for %parallel_loop3A_17 = %parallel_loop3A_10 to %parallel_loop3A_11 step %parallel_loop3A_12  : i32 {
      %parallel_loop3A_18 = arith.constant 7 : i32
      %parallel_loop3A_19 = arith.andi %parallel_loop3A_17, %parallel_loop3A_18 : i32
      %parallel_loop3A_20 = arith.constant 16 : i32
      %parallel_loop3A_21 = arith.muli %parallel_loop3A_19, %parallel_loop3A_20 : i32
      %parallel_loop3A_22 = arith.constant 3 : i32
      %parallel_loop3A_23 = arith.shrsi %parallel_loop3A_17, %parallel_loop3A_22 : i32
      %parallel_loop3A_24 = arith.constant 1024 : i32
      %parallel_loop3A_25 = arith.muli %parallel_loop3A_23, %parallel_loop3A_24 : i32
      %parallel_loop3A_26 = arith.addi %parallel_loop3A_25, %parallel_loop3A_21 : i32
      %parallel_loop3A_27 = arith.index_cast %parallel_loop3A_26 : i32 to index
      %parallel_loop3A_28 = tpu.vector_load %arg6[%parallel_loop3A_27] {strides = array<i32>} : memref<4096xi32, #tpu.memory_space<vmem>>, vector<16xi32>,
      %parallel_loop3A_29 = arith.constant 128 : i32
      %parallel_loop3A_30 = arith.addi %parallel_loop3A_26, %parallel_loop3A_29 : i32
      %parallel_loop3A_31 = arith.index_cast %parallel_loop3A_30 : i32 to index
      %parallel_loop3A_32 = tpu.vector_load %arg6[%parallel_loop3A_31] {strides = array<i32>} : memref<4096xi32, #tpu.memory_space<vmem>>, vector<16xi32>,
      %parallel_loop3A_33 = arith.constant 5 : i32
      %parallel_loop3A_34 = vector.broadcast %parallel_loop3A_33 : i32 to vector<16xi32>
      %parallel_loop3A_35 = arith.shli %parallel_loop3A_28, %parallel_loop3A_34 : vector<16xi32>
      %parallel_loop3A_36 = arith.addi %parallel_loop3A_35, %parallel_loop3A_32 : vector<16xi32>
      %parallel_loop3A_37 = tpu.vector_load_idx %arg8[%parallel_loop3A_36] : memref<672xf32, #tpu.memory_space<vmem>>[vector<16xi32>], vector<16xf32>,
      %parallel_loop3A_38 = tpu.vector_load_idx %arg9[%parallel_loop3A_36] : memref<672xf32, #tpu.memory_space<vmem>>[vector<16xi32>], vector<16xf32>,
      %parallel_loop3A_39 = arith.constant 256 : i32
      %parallel_loop3A_40 = arith.addi %parallel_loop3A_26, %parallel_loop3A_39 : i32
      %parallel_loop3A_41 = arith.index_cast %parallel_loop3A_40 : i32 to index
      %parallel_loop3A_42 = tpu.vector_load %arg6[%parallel_loop3A_41] {strides = array<i32>} : memref<4096xi32, #tpu.memory_space<vmem>>, vector<16xi32>,
      %parallel_loop3A_43 = arith.constant 5 : i32
      %parallel_loop3A_44 = vector.broadcast %parallel_loop3A_43 : i32 to vector<16xi32>
      %parallel_loop3A_45 = arith.shli %parallel_loop3A_28, %parallel_loop3A_44 : vector<16xi32>
      %parallel_loop3A_46 = arith.addi %parallel_loop3A_45, %parallel_loop3A_42 : vector<16xi32>
      %parallel_loop3A_47 = tpu.vector_load_idx %arg8[%parallel_loop3A_46] : memref<672xf32, #tpu.memory_space<vmem>>[vector<16xi32>], vector<16xf32>,
      %parallel_loop3A_48 = tpu.vector_load_idx %arg9[%parallel_loop3A_46] : memref<672xf32, #tpu.memory_space<vmem>>[vector<16xi32>], vector<16xf32>,
      %parallel_loop3A_49 = arith.constant 384 : i32
      %parallel_loop3A_50 = arith.addi %parallel_loop3A_26, %parallel_loop3A_49 : i32
      %parallel_loop3A_51 = arith.index_cast %parallel_loop3A_50 : i32 to index
      %parallel_loop3A_52 = tpu.vector_load %arg6[%parallel_loop3A_51] {strides = array<i32>} : memref<4096xi32, #tpu.memory_space<vmem>>, vector<16xi32>,
      %parallel_loop3A_53 = arith.constant 5 : i32
      %parallel_loop3A_54 = vector.broadcast %parallel_loop3A_53 : i32 to vector<16xi32>
      %parallel_loop3A_55 = arith.shli %parallel_loop3A_28, %parallel_loop3A_54 : vector<16xi32>
      %parallel_loop3A_56 = arith.addi %parallel_loop3A_55, %parallel_loop3A_52 : vector<16xi32>
      %parallel_loop3A_57 = tpu.vector_load_idx %arg8[%parallel_loop3A_56] : memref<672xf32, #tpu.memory_space<vmem>>[vector<16xi32>], vector<16xf32>,
      %parallel_loop3A_58 = tpu.vector_load_idx %arg9[%parallel_loop3A_56] : memref<672xf32, #tpu.memory_space<vmem>>[vector<16xi32>], vector<16xf32>,
      %parallel_loop3A_59 = arith.constant 512 : i32
      %parallel_loop3A_60 = arith.addi %parallel_loop3A_26, %parallel_loop3A_59 : i32
      %parallel_loop3A_61 = arith.index_cast %parallel_loop3A_60 : i32 to index
      %parallel_loop3A_62 = tpu.vector_load %arg6[%parallel_loop3A_61] {strides = array<i32>} : memref<4096xi32, #tpu.memory_space<vmem>>, vector<16xi32>,
      %parallel_loop3A_63 = arith.constant 5 : i32
      %parallel_loop3A_64 = vector.broadcast %parallel_loop3A_63 : i32 to vector<16xi32>
      %parallel_loop3A_65 = arith.shli %parallel_loop3A_28, %parallel_loop3A_64 : vector<16xi32>
      %parallel_loop3A_66 = arith.addi %parallel_loop3A_65, %parallel_loop3A_62 : vector<16xi32>
      %parallel_loop3A_67 = tpu.vector_load_idx %arg8[%parallel_loop3A_66] : memref<672xf32, #tpu.memory_space<vmem>>[vector<16xi32>], vector<16xf32>,
      %parallel_loop3A_68 = tpu.vector_load_idx %arg9[%parallel_loop3A_66] : memref<672xf32, #tpu.memory_space<vmem>>[vector<16xi32>], vector<16xf32>,
      %parallel_loop3A_69 = arith.addf %parallel_loop3A_37, %parallel_loop3A_47 : vector<16xf32>
      %parallel_loop3A_70 = arith.addf %parallel_loop3A_57, %parallel_loop3A_67 : vector<16xf32>
      %parallel_loop3A_71 = arith.addf %parallel_loop3A_69, %parallel_loop3A_70 : vector<16xf32>
      %parallel_loop3A_72 = arith.addf %parallel_loop3A_38, %parallel_loop3A_48 : vector<16xf32>
      %parallel_loop3A_73 = arith.addf %parallel_loop3A_58, %parallel_loop3A_68 : vector<16xf32>
      %parallel_loop3A_74 = arith.addf %parallel_loop3A_72, %parallel_loop3A_73 : vector<16xf32>
      %parallel_loop3A_75 = arith.constant 1.000000e+00 : f32
      %parallel_loop3A_76 = vector.broadcast %parallel_loop3A_75 : f32 to vector<16xf32>
      %parallel_loop3A_77 = arith.divf %parallel_loop3A_76, %parallel_loop3A_71 : vector<16xf32>
      %parallel_loop3A_78 = arith.constant 3 : i32
      %parallel_loop3A_79 = arith.shrsi %parallel_loop3A_17, %parallel_loop3A_78 : i32
      %parallel_loop3A_80 = arith.constant 512 : i32
      %parallel_loop3A_81 = arith.muli %parallel_loop3A_79, %parallel_loop3A_80 : i32
      %parallel_loop3A_82 = arith.addi %parallel_loop3A_81, %parallel_loop3A_21 : i32
      %parallel_loop3A_83 = arith.mulf %parallel_loop3A_37, %parallel_loop3A_77 : vector<16xf32>
      %parallel_loop3A_84 = arith.constant 0 : i32
      %parallel_loop3A_85 = arith.addi %parallel_loop3A_82, %parallel_loop3A_84 : i32
      %parallel_loop3A_86 = arith.index_cast %parallel_loop3A_85 : i32 to index
      %parallel_loop3A_87 = tpu.vector_load %arg10[%parallel_loop3A_86] {strides = array<i32>} : memref<2048xf32, #tpu.memory_space<vmem>>, vector<16xf32>,
      tpu.vector_store %arg10[%parallel_loop3A_86], %parallel_loop3A_83 {strides = array<i32>} : memref<2048xf32, #tpu.memory_space<vmem>>, vector<16xf32>,
      %parallel_loop3A_88 = arith.mulf %parallel_loop3A_47, %parallel_loop3A_77 : vector<16xf32>
      %parallel_loop3A_89 = arith.constant 128 : i32
      %parallel_loop3A_90 = arith.addi %parallel_loop3A_82, %parallel_loop3A_89 : i32
      %parallel_loop3A_91 = arith.index_cast %parallel_loop3A_90 : i32 to index
      %parallel_loop3A_92 = tpu.vector_load %arg10[%parallel_loop3A_91] {strides = array<i32>} : memref<2048xf32, #tpu.memory_space<vmem>>, vector<16xf32>,
      tpu.vector_store %arg10[%parallel_loop3A_91], %parallel_loop3A_88 {strides = array<i32>} : memref<2048xf32, #tpu.memory_space<vmem>>, vector<16xf32>,
      %parallel_loop3A_93 = arith.mulf %parallel_loop3A_57, %parallel_loop3A_77 : vector<16xf32>
      %parallel_loop3A_94 = arith.constant 256 : i32
      %parallel_loop3A_95 = arith.addi %parallel_loop3A_82, %parallel_loop3A_94 : i32
      %parallel_loop3A_96 = arith.index_cast %parallel_loop3A_95 : i32 to index
      %parallel_loop3A_97 = tpu.vector_load %arg10[%parallel_loop3A_96] {strides = array<i32>} : memref<2048xf32, #tpu.memory_space<vmem>>, vector<16xf32>,
      tpu.vector_store %arg10[%parallel_loop3A_96], %parallel_loop3A_93 {strides = array<i32>} : memref<2048xf32, #tpu.memory_space<vmem>>, vector<16xf32>,
      %parallel_loop3A_98 = arith.mulf %parallel_loop3A_67, %parallel_loop3A_77 : vector<16xf32>
      %parallel_loop3A_99 = arith.constant 384 : i32
      %parallel_loop3A_100 = arith.addi %parallel_loop3A_82, %parallel_loop3A_99 : i32
      %parallel_loop3A_101 = arith.index_cast %parallel_loop3A_100 : i32 to index
      %parallel_loop3A_102 = tpu.vector_load %arg10[%parallel_loop3A_101] {strides = array<i32>} : memref<2048xf32, #tpu.memory_space<vmem>>, vector<16xf32>,
      tpu.vector_store %arg10[%parallel_loop3A_101], %parallel_loop3A_98 {strides = array<i32>} : memref<2048xf32, #tpu.memory_space<vmem>>, vector<16xf32>,
      %parallel_loop3A_103 = arith.mulf %get3A_6, %parallel_loop3A_71 : vector<16xf32>
      %parallel_loop3A_104 = arith.mulf %parallel_loop3A_74, %parallel_loop3A_77 : vector<16xf32>
      %parallel_loop3A_105 = math.exp %parallel_loop3A_104 : vector<16xf32>
      %parallel_loop3A_106 = arith.mulf %exp3A, %parallel_loop3A_105 : vector<16xf32>
      %parallel_loop3A_107 = arith.addf %parallel_loop3A_71, %parallel_loop3A_106 : vector<16xf32>
      %parallel_loop3A_108 = arith.divf %parallel_loop3A_103, %parallel_loop3A_107 : vector<16xf32>
      %parallel_loop3A_109 = arith.constant 16 : i32
      %parallel_loop3A_110 = arith.muli %parallel_loop3A_17, %parallel_loop3A_109 : i32
      %parallel_loop3A_111 = arith.index_cast %parallel_loop3A_110 : i32 to index
      %parallel_loop3A_112 = tpu.vector_load %arg11[%parallel_loop3A_111] {strides = array<i32>} : memref<512xf32, #tpu.memory_space<vmem>>, vector<16xf32>,
      tpu.vector_store %arg11[%parallel_loop3A_111], %parallel_loop3A_108 {strides = array<i32>} : memref<512xf32, #tpu.memory_space<vmem>>, vector<16xf32>,
    } {sc.loop_unroll_factor = 4 : i64, sc.parallel_access}
    %mul3A_13 = arith.constant 2048 : i32
    %mul3A_14 = arith.muli %add3A, %mul3A_13 : i32
    "tpu.region"() ({
      %run_scoped3A = tpu.sem_alloc : memref<!tpu.dma_semaphore, #tpu.memory_space<semaphore_mem>>
      %dma_start3A_17 = tpu.memref_slice %arg4[%mul3A_14] : memref<65536xf32, #tpu.memory_space<hbm>> -> memref<2048xf32, #tpu.memory_space<hbm>>
      %dma_start3A_18 = tpu.memref_slice %arg4[%mul3A_14] : memref<65536xf32, #tpu.memory_space<hbm>> -> memref<2048xf32, #tpu.memory_space<hbm>>
      tpu.enqueue_dma source(%arg10 : memref<2048xf32, #tpu.memory_space<vmem>>) target(%dma_start3A_18 : memref<2048xf32, #tpu.memory_space<hbm>>) target_semaphore(%run_scoped3A : memref<!tpu.dma_semaphore, #tpu.memory_space<semaphore_mem>>)
      %dma_wait3A_19 = tpu.memref_slice %arg4[%mul3A_14] : memref<65536xf32, #tpu.memory_space<hbm>> -> memref<2048xf32, #tpu.memory_space<hbm>>
      %dma_wait3A_20 = tpu.memref_slice %arg4[%mul3A_14] : memref<65536xf32, #tpu.memory_space<hbm>> -> memref<2048xf32, #tpu.memory_space<hbm>>
      tpu.wait_dma2 semaphore(%run_scoped3A : memref<!tpu.dma_semaphore, #tpu.memory_space<semaphore_mem>>) src(%arg10 : memref<2048xf32, #tpu.memory_space<vmem>>) dst(%dma_wait3A_20 : memref<2048xf32, #tpu.memory_space<hbm>>)
      tpu.yield
    }) : () -> ()
    %mul3A_15 = arith.constant 512 : i32
    %mul3A_16 = arith.muli %add3A, %mul3A_15 : i32
    "tpu.region"() ({
      %run_scoped3A = tpu.sem_alloc : memref<!tpu.dma_semaphore, #tpu.memory_space<semaphore_mem>>
      %dma_start3A_17 = tpu.memref_slice %arg5[%mul3A_16] : memref<16384xf32, #tpu.memory_space<hbm>> -> memref<512xf32, #tpu.memory_space<hbm>>
      %dma_start3A_18 = tpu.memref_slice %arg5[%mul3A_16] : memref<16384xf32, #tpu.memory_space<hbm>> -> memref<512xf32, #tpu.memory_space<hbm>>
      tpu.enqueue_dma source(%arg11 : memref<512xf32, #tpu.memory_space<vmem>>) target(%dma_start3A_18 : memref<512xf32, #tpu.memory_space<hbm>>) target_semaphore(%run_scoped3A : memref<!tpu.dma_semaphore, #tpu.memory_space<semaphore_mem>>)
      %dma_wait3A_19 = tpu.memref_slice %arg5[%mul3A_16] : memref<16384xf32, #tpu.memory_space<hbm>> -> memref<512xf32, #tpu.memory_space<hbm>>
      %dma_wait3A_20 = tpu.memref_slice %arg5[%mul3A_16] : memref<16384xf32, #tpu.memory_space<hbm>> -> memref<512xf32, #tpu.memory_space<hbm>>
      tpu.wait_dma2 semaphore(%run_scoped3A : memref<!tpu.dma_semaphore, #tpu.memory_space<semaphore_mem>>) src(%arg11 : memref<512xf32, #tpu.memory_space<vmem>>) dst(%dma_wait3A_20 : memref<512xf32, #tpu.memory_space<hbm>>)
      tpu.yield
    }) : () -> ()
    return
  }
}

</mosaic_0001>

<sc_bundles>
// kernel: kernel.3.cloned.1.call-start
scs
__scs_entry_jumppad:
0x0: {  	(pc) =	sbr.rel $0x88, $3  }
0x1: {  	(tag) =	ssettag $0x0;
	lr =	simm.s32 $0x1  }
0x2: {  	[smem:$0x3F9C] =	sst lr;
	_ =	strace $0xD0000000  }
0x3: {  	_ = 	snop  }
0x4: {  	_ = 	snop  }
0x5: {  	_ = 	snop  }
0x6: {  	_ = 	snop  }
0x7: {  	_ = 	snop  }
__scs_overlays_trampoline_lowered:
0x8: {  	[smem:$0x3FAB] =	sst s0  }
0x9: {  	[smem:$0x3FAC] =	sst s1  }
0xa: {  	[smem:$0x3FAD] =	sst s2  }
0xb: {  	[smem:$0x3FAE] =	sst s3  }
0xc: {  	[smem:$0x3FAF] =	sst s4  }
0xd: {  	[smem:$0x3FB0] =	sst s5  }
0xe: {  	[smem:$0x3FB1] =	sst s6  }
0xf: {  	[smem:$0x3FB2] =	sst s7  }
0x10: {  	[smem:$0x3FB3] =	sst s8  }
0x11: {  	[smem:$0x3FB4] =	sst s9;
	s0 =	simm.s32 @!p0 $0x0  }
0x12: {  	s1 =	sld [smem:$0x3F9A];
	s0 =	simm.s32 @p0 $0x1  }
0x13: {  	[smem:$0x3FB5] =	sst s0;
	s0 =	simm.s32 @!p1 $0x0  }
0x14: {  	s2 =	sld [smem:$0x3F99];
	s0 =	simm.s32 @p1 $0x1  }
0x15: {  	[smem:$0x3FB6] =	sst s0;
	s0 =	simm.s32 @!p2 $0x0  }
0x16: {  	s3 =	sld [smem:$0x3FDB];
	s0 =	simm.s32 @p2 $0x1  }
0x17: {  	s4 =	simm.s32 $0x1BF5;
	[smem:$0x3FB8] =	sst s0  }
0x18: {  	s0 =	sld [smem:$0x3F9B];
	_ =	swait.ge [sflag:s4], $0x0  }
0x19: {  	s7 =	sld [smem:$0x3F9C]  }
0x1a: {  	s8 =	sadd.s32 $0xFFFFE003, lr  }
0x1b: {  	s9 =	sadd.s32 $0xFFFFFEF7, lr;
	s5 =	simm.s32 $0xFFFFFFFF;
	p2 =	slt.u32 s8, $0xFFFFF086  }
0x1c: {  	p1 =	slt.u32 s9, $0xF7A;
	s5 =	simm.s32 @!p2 $0x0  }
0x1d: {  	s5 =	simm.s32 @p1 $0x1;
	p0 =	seq.s32 s7, s2  }
0x1e: {  	s7 =	smul.u32 @!p0 $0xF7A, s2;
	p2 =	seq.s32 @!p0 s5, $0x0  }
0x1f: {  	s9 =	smul.u32 $0xF7A, s1;
	s8 =	simm.s32 @!p0 $0x1BF5;
	p2 =	por !p2, p0  }
0x20: {  	[sflag:s8] =	ssyncset.s32 @!p0 $0xFFFFF086;
	s6 =	sadd.s32 @!p0 s3, s7;
	s7 =	simm.s32 @!p0 $0x108  }
0x21: {  	s3 =	sadd.s32 s3, s9;
	s6 =	sadd.s32 @!p0 $0x88, s6;
	s7 =	simm.s32 @p2 $0x1082  }
0x22: {  	[simem:s7], [sflag:s8] =	dma.local @!p0 [hbm:s6], $0xF7A  }
0x23: {  	s9 =	sor.u32 $0xD0000000, s2;
	s6 =	simm.s32 $0x108;
	_ =	swait.ge @!p0 [sflag:s8], $0x0  }
0x24: {  	s3 =	sadd.s32 $0x88, s3;
	s6 =	simm.s32 @!p1 $0x1082;
	[sflag:s4] =	ssyncset.s32 $0xFFFFF086  }
0x25: {  	[simem:s6], [sflag:s4] =	dma.local [hbm:s3], $0xF7A  }
0x26: {  	[smem:$0x3F9C] =	sst s1;
	(tag) =	ssettag s2;
	_ =	strace s9  }
0x27: {  	s1 =	sld [smem:$0x3FAC]  }
0x28: {  	s2 =	sld [smem:$0x3FAD]  }
0x29: {  	s4 =	sld [smem:$0x3FAF]  }
0x2a: {  	p0 =	seq.s32 s5, $0x0;
	s5 =	sld [smem:$0x3FB0]  }
0x2b: {  	s6 =	sld [smem:$0x3FB1]  }
0x2c: {  	s7 =	sld [smem:$0x3FB2]  }
0x2d: {  	s3 =	simm.s32 $0x108;
	s8 =	sld [smem:$0x3FB3]  }
0x2e: {  	s3 =	simm.s32 @!p0 $0x1082;
	s9 =	sld [smem:$0x3FB4]  }
0x2f: {  	lr =	sadd.s32 s0, s3;
	s0 =	sld [smem:$0x3FAB]  }
0x30: {  	s3 =	sld [smem:$0x3FAE]  }
0x31: {  	[smem:$0x3FB7] =	sst s10  }
0x32: {  	s10 =	sld [smem:$0x3FB5];
	_ =	sdelay $0x3  }
0x33: {  	p0 =	seq.s32 s10, $0x1;
	s10 =	sld [smem:$0x3FB7];
	_ =	sdelay $0x3  }
0x34: {  	[smem:$0x3FB7] =	sst s10  }
0x35: {  	s10 =	sld [smem:$0x3FB6];
	_ =	sdelay $0x3  }
0x36: {  	p1 =	seq.s32 s10, $0x1;
	s10 =	sld [smem:$0x3FB7];
	_ =	sdelay $0x3  }
0x37: {  	[smem:$0x3FB7] =	sst s10  }
0x38: {  	s10 =	sld [smem:$0x3FB8]  }
0x39: {  	_ = 	snop;
	(pc) =	sbr.ind lr, $3  }
0x3a: {  	_ = 	snop  }
0x3b: {  	_ = 	snop  }
0x3c: {  	p2 =	seq.s32 s10, $0x1;
	s10 =	sld [smem:$0x3FB7]  }
0x3d: {  	_ =	shalt  }
0x3e: {  	_ =	shalt  }
0x3f: {  	_ =	shalt  }
0x40: {  	_ =	shalt  }
0x41: {  	_ =	shalt  }
0x42: {  	_ =	shalt  }
0x43: {  	_ =	shalt  }
0x44: {  	_ =	shalt  }
0x45: {  	_ =	shalt  }
0x46: {  	_ =	shalt  }
0x47: {  	_ =	shalt  }
0x48: {  	_ =	shalt  }
0x49: {  	_ =	shalt  }
0x4a: {  	_ =	shalt  }
0x4b: {  	_ =	shalt  }
0x4c: {  	_ =	shalt  }
0x4d: {  	_ =	shalt  }
0x4e: {  	_ =	shalt  }
0x4f: {  	_ =	shalt  }
0x50: {  	_ =	shalt  }
0x51: {  	_ =	shalt  }
0x52: {  	_ =	shalt  }
0x53: {  	_ =	shalt  }
0x54: {  	_ =	shalt  }
0x55: {  	_ =	shalt  }
0x56: {  	_ =	shalt  }
0x57: {  	_ =	shalt  }
0x58: {  	_ =	shalt  }
0x59: {  	_ =	shalt  }
0x5a: {  	_ =	shalt  }
0x5b: {  	_ =	shalt  }
0x5c: {  	_ =	shalt  }
0x5d: {  	_ =	shalt  }
0x5e: {  	_ =	shalt  }
0x5f: {  	_ =	shalt  }
0x60: {  	_ =	shalt  }
0x61: {  	_ =	shalt  }
0x62: {  	_ =	shalt  }
0x63: {  	_ =	shalt  }
0x64: {  	_ =	shalt  }
0x65: {  	_ =	shalt  }
0x66: {  	_ =	shalt  }
0x67: {  	_ =	shalt  }
0x68: {  	_ =	shalt  }
0x69: {  	_ =	shalt  }
0x6a: {  	_ =	shalt  }
0x6b: {  	_ =	shalt  }
0x6c: {  	_ =	shalt  }
0x6d: {  	_ =	shalt  }
0x6e: {  	_ =	shalt  }
0x6f: {  	_ =	shalt  }
0x70: {  	_ =	shalt  }
0x71: {  	_ =	shalt  }
0x72: {  	_ =	shalt  }
0x73: {  	_ =	shalt  }
0x74: {  	_ =	shalt  }
0x75: {  	_ =	shalt  }
0x76: {  	_ =	shalt  }
0x77: {  	_ =	shalt  }
0x78: {  	_ =	shalt  }
0x79: {  	_ =	shalt  }
0x7a: {  	_ =	shalt  }
0x7b: {  	_ =	shalt  }
0x7c: {  	_ =	shalt  }
0x7d: {  	_ =	shalt  }
0x7e: {  	_ =	shalt  }
0x7f: {  	_ =	shalt  }
0x80: {  	_ =	shalt  }
0x81: {  	_ =	shalt  }
0x82: {  	_ =	shalt  }
0x83: {  	_ =	shalt  }
0x84: {  	_ =	shalt  }
0x85: {  	_ =	shalt  }
0x86: {  	_ =	shalt  }
0x87: {  	_ =	shalt  }
.Lfunc_end0:
.L_simem_size_0:
called_computation_lowered:
.L_overlay_start_0:
0x88: {  	s2 =	sld [smem:$0x3FD9]  }
0x89: {  	s3 =	sld [smem:$0x3FFE];
	_ =	sdelay $0x1  }
0x8a: {  	s1 =	srdreg.scid  }
0x8b: {  	s0 =	sand.u32 $0x1, s1  }
0x8c: {  	s14 =	sshll.u32 s0, $0xA;
	s2 =	sadd.s32 s3, s2  }
0x8d: {  	s2 =	sadd.s32 s2, s14  }
0x8e: {  	[smem:$0x3FC3] =	sst s2  }
0x8f: {  	_ = 	snop  }
0x90: {  	s2 =	sld [smem:$0x3FD0];
	_ =	sdelay $0x2  }
0x91: {  	s15 =	simm.s32 $0xA;
	s4 =	simm.s32 $0x10  }
0x92: {  	[smem:s4], [sflag:s15] =	dma.local [hbm:s2], $0x1  }
0x93: {  	_ =	swait.eq [sflag:s15], $0x1  }
0x94: {  	[sflag:s15] =	ssyncset.done $0x0  }
0x95: {  	s16 =	sld [smem:$0x10];
	[sflag:s15] =	ssyncadd.s32 $0xFFFFFFFF  }
0x96: {  	s17 =	sld [smem:$0x11];
	(tm) =	ssettm $0x1  }
0x97: {  	s18 =	sld [smem:$0x3FFB];
	_ =	sdelay $0x3  }
0x98: {  	_ =	strace s18  }
0x99: {  	s4 =	sld [smem:$0x3FFC];
	_ =	sdelay $0x3  }
0x9a: {  	_ =	strace s4  }
0x9b: {  	s4 =	sld [smem:$0x3FFD];
	_ =	sdelay $0x3  }
0x9c: {  	_ =	strace s4  }
0x9d: {  	_ =	strace $0x8FFFFFFF  }
0x9e: {  	s19 =	sld [smem:$0x3FDB];
	_ =	sdelay $0x1  }
0x9f: {  	s5 =	simm.s32 $_scs_section_size  }
0xa0: {  	s6 =	simm.s32 $_size__tile_overlayer_lowered;
	s7 =	simm.s32 $_tile_overlayer_lowered  }
0xa1: {  	s22 =	simm.s32 $0x1BFF;
	s21 =	sshll.u32 s7, $0x1;
	s4 =	sadd.s32 s5, s19  }
0xa2: {  	s8 =	simm.s32 $0x0;
	s20 =	sshll.u32 s6, $0x1;
	s6 =	sadd.s32 s21, s4  }
0xa3: {  	[timem:s8], [sflag:s22] =	dma.local [hbm:s6], s20  }
0xa4: {  	_ =	swait.ge [sflag:s22], s20  }
0xa5: {  	s5 =	ssub.s32 $0x0, s20;
	[sflag:s22] =	ssyncset.done $0x0  }
0xa6: {  	[sflag:s22] =	ssyncadd.s32 s5;
	_ =	sdelay $0x1  }
0xa7: {  	s23 =	simm.s32 $0x1B8B  }
0xa8: {  	_ =	swait.ge [sflag:s23], $0x1  }
0xa9: {  	[sflag:s23] =	ssyncset.done $0x0  }
0xaa: {  	s25 =	simm.s32 $0x1B8E;
	s24 =	sld [smem:$0x3FFE];
	[sflag:s23] =	ssyncadd.s32 $0xFFFFFFFF  }
0xab: {  	s26 =	simm.s32 $execute0_lowered;
	[smem:$0x3FD2] =	sst s25  }
0xac: {  	s6 =	sshll.u32 s26, $0x1;
	_ =	strace $0x80000046;
	[dreg:$0x1] =	wrdreg $0xFFFFFFFF  }
0xad: {  	s28 =	simm.s32 $_size_execute0_lowered;
	s4 =	sadd.s32 s4, s6;
	[dreg:$0x0] =	wrdreg $0x0  }
0xae: {  	s6 =	sshll.u32 s28, $0x1;
	[dreg:$0x2] =	wrdreg s4  }
0xaf: {  	[dreg:$0x3] =	wrdreg s6  }
0xb0: {  	[dreg:$0x4] =	wrdreg $0xC0  }
0xb1: {  	_ =	task [dreg:s8], $0x5FFFF  }
0xb2: {  	[dreg:$0x1] =	wrdreg $0xFFFFFFFF  }
0xb3: {  	[dreg:$0x0] =	wrdreg $0x60  }
0xb4: {  	[dreg:$0x2] =	wrdreg s24  }
0xb5: {  	[dreg:$0x3] =	wrdreg s16  }
0xb6: {  	[dreg:$0x4] =	wrdreg s17  }
0xb7: {  	[dreg:$0x5] =	wrdreg $0x9  }
0xb8: {  	_ =	task.clear_ibuf [dreg:s8], $0x6FFFF;
	_ =	strace $0x90000046  }
0xb9: {  	s29 =	simm.s32 $0x9;
	_ =	strace $0x80000048  }
0xba: {  	_ =	swait.ge [sflag:s29], $0x1  }
0xbb: {  	[sflag:s29] =	ssyncadd.s32 $0xFFFFFFFF  }
0xbc: {  	_ =	strace $0x90000048  }
0xbd: {  	_ =	sfence  }
0xbe: {  	s30 =	sld [smem:$0x0];
	_ =	sdelay $0x2  }
0xbf: {  	s31 =	sshll.u32 s1, $0xD;
	s1 =	sshrl.u32 s1, $0x2  }
0xc0: {  	s3 =	sand.u32 $0x4000, s31;
	s1 =	sadd.s32 s1, s30  }
0xc1: {  	s0 =	sor.u32 s3, s0;
	s1 =	sshll.u32 s1, $0x11  }
0xc2: {  	s0 =	sor.u32 s1, s0  }
0xc3: {  	s0 =	sadd.s32 $0x8F2B, s0  }
0xc4: {  	[sflag:s0] =	ssyncadd.remote.s32 $0x1  }
0xc5: {  	_ =	sfence.sel $0xFFFF  }
0xc6: {  	[dreg:$0x0] =	wrdreg $0xFFFFFFFF;
	(pc) =	sbr.abs _section_cstart, $3  }
0xc7: {  	[dreg:$0x1] =	wrdreg $0xFFFFFFFF  }
0xc8: {  	_ =	task.clear_ibuf [dreg:s8], $0x2FFFF;
	_ =	strace $0x9FFFFFFF  }
0xc9: {  	(tm) =	ssettm $0x7FFFFFFF  }
tec
execute0_lowered:
.L_overlay_start_1:
0x0: {  	(tag) =	ssettag $0x1  }
0x1: {  	s0 =	rddreg [dreg:$0x0]  }
0x2: {  	s1 =	rddreg [dreg:$0x1]  }
0x3: {  	s6 =	rddreg [dreg:$0x2]  }
0x4: {  	s3 =	srdreg.scid;
	s4 =	stileid.u32  }
0x5: {  	s2 =	simm.s32 $0x0;
	s9 =	simm.s32 $0x2;
	s10 =	simm.s32 $0x1  }
0x6: {  	s11 =	simm.s32 $0x1100;
	s12 =	simm.s32 $0x1400;
	s15 =	simm.s32 $0x0  }
0x7: {  	s3 =	sand.u32 $0x1, s3;
	s4 =	sshll.u32 s4, $0x1;
	[smem:$0x7FF] =	sst s2  }
0x8: {  	v0 =	vlaneseq.u32;
	s4 =	sor.u32 s3, s4;
	_ =	strace $0x80000047;
	s7 =	ssub.s32 $0x2, s3  }
0x9: {  	v1 =	vmul.u32 $0x3, v0;
	s3 =	sadd.s32 $0x4A00, s0;
	s5 =	sshll.u32 s4, $0x9;
	s30 =	sshrl.u32 s7, $0x1  }
0xa: {  	s31 =	sshll.u32 s4, $0x8;
	s8 =	sshll.u32 s4, $0x6;
	s5 =	sadd.s32 s5, s0  }
0xb: {  	v2 =	vadd.s32 $0x1, v1;
	v3 =	vadd.s32 $0x2, v1;
	s0 =	ssub.s32 s7, s30;
	s6 =	sadd.s32 s6, s8;
	s8 =	simm.s32 $0x1000  }
0xc: {  	v4 =	vadd.s32 $0x30, v1;
	v5 =	vadd.s32 $0x31, v1;
	v6 =	vadd.s32 $0x32, v1;
	s4 =	sadd.s32 $0xA00, s5;
	s5 =	sadd.s32 s1, s31;
	s7 =	smax.u32 s0, $0x1  }
.LBB2_1:
0xd: {  	[tilespmem:s2], [sflag:$0x1] =	stream.linear.gather [hbm4b:s4+s2], $0x1000, $0x38;
	[tilespmem:$0x2100] =	vst v63  }
0xe: {  	s0 =	simm.s32 $0x20  }
0xf: {  	s1 =	simm.s32 $0x10;
	v7 =	vmov s0  }
0x10: {  	v8 =	vmov s1;
	[tilespmem:s8], [sflag:$0x2] =	stream.linear.gather [hbm4b:s3+s2], $0x100, $0x38;
	v7 =	vshra.s32 v7, $0x5;
	[tilespmem:$0x2100] =	vst v63  }
0x11: {  	s25 =	simm.s32 $0x30;
	v8 =	vshra.s32 v8, $0x5;
	_ =	swait.ge [sflag:s9], $0x100;
	v7 =	vmul.u32 $0x3, v7  }
0x12: {  	v11 =	vmov s25;
	v8 =	vmul.u32 $0x3, v8;
	[sflag:s9] =	ssyncset.done $0x0  }
0x13: {  	v11 =	vshra.s32 v11, $0x5;
	[sflag:s9] =	ssyncadd.s32 $0xFFFFFF00;
	v7 =	vbroadcast v7, $0x0  }
0x14: {  	v11 =	vmul.u32 $0x3, v11;
	v8 =	vbroadcast v8, $0x0;
	v9 =	vld.idx.msk [tilespmem:v3+s8+$0x0], $0xffff  }
0x15: {  	v10 =	vld.idx.msk [tilespmem:v2+s8+$0x0], $0xffff  }
0x16: {  	v11 =	vbroadcast v11, $0x0;
	v12 =	vld.idx.msk [tilespmem:v1+s8+$0x0], $0xffff;
	v13 =	vadd.s32 $0x1, v7  }
0x17: {  	v14 =	vld.idx.msk [tilespmem:v5+s8+$0x0], $0xffff  }
0x18: {  	v16 =	vld.idx.msk [tilespmem:v4+s8+$0x0], $0xffff;
	v15 =	vadd.s32 $0x2, v7  }
0x19: {  	v18 =	vadd.s32 $0x1, v8;
	v7 =	vld.idx.msk [tilespmem:v7+s8+$0x0], $0xffff  }
0x1a: {  	v17 =	vadd.s32 $0x2, v8;
	v8 =	vld.idx.msk [tilespmem:v8+s8+$0x0], $0xffff  }
0x1b: {  	v13 =	vld.idx.msk [tilespmem:v13+s8+$0x0], $0xffff  }
0x1c: {  	v20 =	vadd.s32 $0x1, v11;
	v21 =	vadd.s32 $0x2, v11;
	v11 =	vld.idx.msk [tilespmem:v11+s8+$0x0], $0xffff  }
0x1d: {  	v15 =	vld.idx.msk [tilespmem:v15+s8+$0x0], $0xffff  }
0x1e: {  	v18 =	vld.idx.msk [tilespmem:v18+s8+$0x0], $0xffff;
	v7 =	vsub.f32 v7, v12;
	_ =	sdelay $0x1  }
0x1f: {  	v19 =	vld.idx.msk [tilespmem:v6+s8+$0x0], $0xffff;
	v13 =	vsub.f32 v13, v10;
	v7 =	vmul.f32 v7, v7  }
0x20: {  	v17 =	vld.idx.msk [tilespmem:v17+s8+$0x0], $0xffff;
	v8 =	vsub.f32 v8, v16;
	v11 =	vsub.f32 v11, v16  }
0x21: {  	v20 =	vld.idx.msk [tilespmem:v20+s8+$0x0], $0xffff;
	v15 =	vsub.f32 v15, v9;
	v13 =	vmul.f32 v13, v13;
	v7 =	vadd.f32 $9.999999960e-13, v7  }
0x22: {  	v21 =	vld.idx.msk [tilespmem:v21+s8+$0x0], $0xffff;
	v16 =	vsub.f32 v18, v14;
	v8 =	vmul.f32 v8, v8;
	v11 =	vmul.f32 v11, v11  }
0x23: {  	v7 =	vadd.f32 v13, v7;
	v13 =	vmul.f32 v15, v15  }
0x24: {  	v16 =	vmul.f32 v16, v16;
	v8 =	vadd.f32 $9.999999960e-13, v8;
	v11 =	vadd.f32 $9.999999960e-13, v11  }
0x25: {  	v15 =	vsub.f32 v17, v19;
	v7 =	vadd.f32 v13, v7  }
0x26: {  	v8 =	vadd.f32 v16, v8;
	v13 =	vsub.f32 v20, v14  }
0x27: {  	v14 =	vsub.f32 v21, v19;
	v17 =	vshra.s32 v7, $0x1;
	v18 =	vmul.f32 $5.000000000e-01, v7  }
0x28: {  	v19 =	vmov s2;
	v13 =	vmul.f32 v13, v13;
	v17 =	vsub.s32 $0x5F3759DF, v17  }
0x29: {  	v15 =	vmul.f32 v15, v15;
	v19 =	vshra.s32 v19, $0x5;
	v20 =	vmul.f32 v17, v18  }
0x2a: {  	v16 =	vmul.u32 $0x3, v19;
	v14 =	vmul.f32 v14, v14;
	v11 =	vadd.f32 v13, v11  }
0x2b: {  	v8 =	vadd.f32 v15, v8;
	v19 =	vmul.f32 v17, v20  }
0x2c: {  	v13 =	vbroadcast v16, $0x0;
	v11 =	vadd.f32 v14, v11  }
0x2d: {  	v14 =	vshra.s32 v8, $0x1;
	v15 =	vsub.f32 $1.500000000e+00, v19  }
0x2e: {  	v16 =	vmul.f32 $5.000000000e-01, v8;
	v14 =	vsub.s32 $0x5F3759DF, v14;
	v20 =	vshra.s32 v11, $0x1  }
0x2f: {  	v21 =	vmul.f32 $5.000000000e-01, v11;
	v15 =	vmul.f32 v17, v15;
	v17 =	vor.u32 $0x1, v13  }
0x30: {  	v19 =	vmul.f32 v14, v16;
	v20 =	vsub.s32 $0x5F3759DF, v20  }
0x31: {  	v23 =	vadd.s32 $0x2, v13;
	v24 =	vmul.f32 v20, v21  }
0x32: {  	v19 =	vmul.f32 v14, v19;
	v13 =	vld.idx.msk [tilespmem:v13+s8+$0x0], $0xffff;
	v22 =	vmul.f32 v15, v18  }
0x33: {  	v24 =	vmul.f32 v20, v24  }
0x34: {  	v19 =	vsub.f32 $1.500000000e+00, v19;
	v22 =	vmul.f32 v22, v15;
	v17 =	vld.idx.msk [tilespmem:v17+s8+$0x0], $0xffff  }
0x35: {  	v24 =	vsub.f32 $1.500000000e+00, v24  }
0x36: {  	v14 =	vmul.f32 v14, v19;
	v19 =	vld.idx.msk [tilespmem:v23+s8+$0x0], $0xffff;
	v22 =	vsub.f32 $1.500000000e+00, v22  }
0x37: {  	v12 =	vsub.f32 v13, v12;
	v13 =	vmul.f32 v20, v24  }
0x38: {  	v22 =	vmul.f32 v22, v15;
	v15 =	vmul.f32 v14, v16  }
0x39: {  	v12 =	vmul.f32 v12, v12;
	v10 =	vsub.f32 v17, v10  }
0x3a: {  	v17 =	vmul.f32 v13, v21;
	v15 =	vmul.f32 v15, v14  }
0x3b: {  	v9 =	vsub.f32 v19, v9;
	v12 =	vadd.f32 $9.999999960e-13, v12;
	v10 =	vmul.f32 v10, v10  }
0x3c: {  	v17 =	vmul.f32 v17, v13;
	v15 =	vsub.f32 $1.500000000e+00, v15  }
0x3d: {  	s26 =	simm.s32 $0x50;
	v9 =	vmul.f32 v9, v9;
	v10 =	vadd.f32 v10, v12  }
0x3e: {  	s28 =	simm.s32 $0x60;
	v12 =	vsub.f32 $1.500000000e+00, v17;
	v14 =	vmul.f32 v15, v14;
	v15 =	vmov s26  }
0x3f: {  	v15 =	vshra.s32 v15, $0x5;
	v9 =	vadd.f32 v9, v10;
	v10 =	vmov s28  }
0x40: {  	v16 =	vmul.f32 v14, v16;
	v15 =	vmul.u32 $0x3, v15;
	v10 =	vshra.s32 v10, $0x5  }
0x41: {  	v17 =	vshra.s32 v9, $0x1;
	v19 =	vmul.f32 $5.000000000e-01, v9;
	v10 =	vmul.u32 $0x3, v10  }
0x42: {  	s29 =	simm.s32 $0x70;
	v16 =	vmul.f32 v16, v14;
	v23 =	vbroadcast v15, $0x0;
	v20 =	vsub.s32 $0x5F3759DF, v17  }
0x43: {  	v24 =	vmov s29;
	v17 =	vmul.f32 v20, v19;
	v10 =	vbroadcast v10, $0x0  }
0x44: {  	v24 =	vshra.s32 v24, $0x5;
	v18 =	vmul.f32 v22, v18;
	v12 =	vmul.f32 v12, v13;
	v15 =	vld.idx.msk [tilespmem:v3+s8+$0x0], $0xffff  }
0x45: {  	v13 =	vsub.f32 $1.500000000e+00, v16;
	v16 =	vld.idx.msk [tilespmem:v2+s8+$0x0], $0xffff;
	v25 =	vmul.f32 v20, v17;
	v26 =	vadd.s32 $0x1, v10  }
0x46: {  	v18 =	vmul.f32 v18, v22;
	v21 =	vmul.f32 v12, v21;
	v17 =	vld.idx.msk [tilespmem:v1+s8+$0x0], $0xffff;
	v28 =	vadd.s32 $0x2, v10  }
0x47: {  	v24 =	vmul.u32 $0x3, v24;
	v13 =	vmul.f32 v13, v14;
	v14 =	vsub.f32 $1.500000000e+00, v25;
	v25 =	vld.idx.msk [tilespmem:v4+s8+$0x0], $0xffff  }
0x48: {  	v18 =	vsub.f32 $1.500000000e+00, v18;
	v21 =	vmul.f32 v21, v12;
	v29 =	vadd.s32 $0x2, v23;
	v30 =	vld.idx.msk [tilespmem:v23+s8+$0x0], $0xffff  }
0x49: {  	v24 =	vbroadcast v24, $0x0;
	v8 =	vmul.f32 v13, v8;
	v10 =	vld.idx.msk [tilespmem:v10+s8+$0x0], $0xffff  }
0x4a: {  	v13 =	vmul.f32 v20, v14;
	v14 =	vmul.f32 v18, v22;
	v20 =	vsub.f32 $1.500000000e+00, v21;
	v21 =	vld.idx.msk [tilespmem:v26+s8+$0x0], $0xffff  }
0x4b: {  	v18 =	vadd.s32 $0x1, v23;
	v8 =	vmul.f32 $-1.000000000e+01, v8;
	v23 =	vld.idx.msk [tilespmem:v28+s8+$0x0], $0xffff  }
0x4c: {  	v26 =	vadd.s32 $0x1, v24;
	v28 =	vld.idx.msk [tilespmem:v6+s8+$0x0], $0xffff;
	v22 =	vmul.f32 v13, v19;
	v7 =	vmul.f32 v14, v7  }
0x4d: {  	v12 =	vmul.f32 v20, v12;
	v8 =	vmul.f32 $1.442695020e+00, v8;
	v20 =	vld.idx.msk [tilespmem:v29+s8+$0x0], $0xffff;
	v29 =	vsub.f32 v30, v25  }
0x4e: {  	v27 =	vld.idx.msk [tilespmem:v5+s8+$0x0], $0xffff;
	v14 =	vadd.s32 $0x2, v24;
	v22 =	vmul.f32 v22, v13;
	v7 =	vmul.f32 $-1.000000000e+01, v7  }
0x4f: {  	v11 =	vmul.f32 v12, v11;
	v12 =	vld.idx.msk [tilespmem:v24+s8+$0x0], $0xffff;
	v10 =	vsub.f32 v10, v17;
	v24 =	vmul.f32 v29, v29  }
0x50: {  	v18 =	vld.idx.msk [tilespmem:v18+s8+$0x0], $0xffff;
	v21 =	vsub.f32 v21, v16;
	v22 =	vsub.f32 $1.500000000e+00, v22;
	v7 =	vmul.f32 $1.442695020e+00, v7  }
0x51: {  	v23 =	vsub.f32 v23, v15;
	v11 =	vmul.f32 $-1.000000000e+01, v11;
	v10 =	vmul.f32 v10, v10  }
0x52: {  	v26 =	vld.idx.msk [tilespmem:v26+s8+$0x0], $0xffff;
	v20 =	vsub.f32 v20, v28;
	v21 =	vmul.f32 v21, v21;
	v13 =	vmul.f32 v22, v13  }
0x53: {  	v24 =	vadd.f32 $9.999999960e-13, v24;
	v14 =	vld.idx.msk [tilespmem:v14+s8+$0x0], $0xffff;
	(erf) = vpow2.f32 v7;
	v11 =	vmul.f32 $1.442695020e+00, v11  }
0x54: {  	v10 =	vadd.f32 $9.999999960e-13, v10;
	v12 =	vsub.f32 v12, v25;
	v20 =	vmul.f32 v20, v20  }
0x55: {  	(erf) = vpow2.f32 v8;
	v7 =	vmul.f32 v13, v19;
	v18 =	vsub.f32 v18, v27  }
0x56: {  	s30 =	simm.s32 $0x40;
	v19 =	vmul.f32 v23, v23;
	(erf) = vpow2.f32 v11;
	v10 =	vadd.f32 v21, v10  }
0x57: {  	v21 =	vsub.f32 v26, v27;
	v12 =	vmul.f32 v12, v12;
	v26 =	vmov s30  }
0x58: {  	v22 =	vmul.f32 v7, v13;
	v14 =	vsub.f32 v14, v28;
	v26 =	vshra.s32 v26, $0x5  }
0x59: {  	v7 =	vadd.f32 v19, v10;
	v10 =	vmul.f32 v18, v18;
	v26 =	vmul.u32 $0x3, v26  }
0x5a: {  	v12 =	vadd.f32 $9.999999960e-13, v12;
	v19 =	vmul.f32 v21, v21;
	v18 =	vsub.f32 $1.500000000e+00, v22  }
0x5b: {  	v14 =	vmul.f32 v14, v14;
	v21 =	vshra.s32 v7, $0x1;
	v26 =	vbroadcast v26, $0x0  }
0x5c: {  	v13 =	vmul.f32 v18, v13;
	v18 =	vsub.s32 $0x5F3759DF, v21;
	v21 =	vmul.f32 $5.000000000e-01, v7  }
0x5d: {  	v10 =	vadd.f32 v10, v24;
	v12 =	vadd.f32 v19, v12;
	v8 =	vpop (erf);
	v30 =	vor.u32 $0x1, v26  }
0x5e: {  	v19 =	vmul.f32 v18, v21;
	v13 =	vmul.f32 v13, v9;
	v8 =	vadd.f32 $1.000000050e-03, v8  }
0x5f: {  	v20 =	vadd.f32 v20, v10;
	v31 =	vadd.s32 $0x2, v26;
	v9 =	vadd.f32 v14, v12  }
0x60: {  	v10 =	vmul.f32 v18, v19;
	v11 =	vmul.f32 $-1.000000000e+01, v13;
	v12 =	vshra.s32 v8, $0x17  }
0x61: {  	v13 =	vshra.s32 v20, $0x1;
	v19 =	vmul.f32 $5.000000000e-01, v20;
	v23 =	vshra.s32 v9, $0x1  }
0x62: {  	v22 =	vsub.s32 $0x5F3759DF, v13;
	v26 =	vld.idx.msk [tilespmem:v26+s8+$0x0], $0xffff;
	v10 =	vsub.f32 $1.500000000e+00, v10;
	v11 =	vmul.f32 $1.442695020e+00, v11  }
0x63: {  	v14 =	vmul.f32 $5.000000000e-01, v9;
	v28 =	vand.u32 $0x7FFFFF, v8;
	v13 =	vmul.f32 v22, v19;
	v30 =	vld.idx.msk [tilespmem:v30+s8+$0x0], $0xffff  }
0x64: {  	v10 =	vmul.f32 v18, v10;
	v18 =	vsub.s32 $0x5F3759DF, v23;
	(erf) = vpow2.f32 v11  }
0x65: {  	v31 =	vld.idx.msk [tilespmem:v31+s8+$0x0], $0xffff;
	v11 =	vadd.s32 $0xFFFFFF81, v12;
	v12 =	vmul.f32 v22, v13;
	v13 =	vmul.f32 v18, v14  }
0x66: {  	v28 =	vor.u32 $0x3F800000, v28  }
0x67: {  	v24 =	vcvt.s32.f32 v11;
	v12 =	vsub.f32 $1.500000000e+00, v12;
	v25 =	vmul.f32 v18, v13  }
0x68: {  	v23 =	vmul.f32 v10, v21;
	v26 =	vsub.f32 v26, v17;
	v11 =	vpop (erf);
	v16 =	vsub.f32 v30, v16  }
0x69: {  	v13 =	vmul.f32 $6.931471820e-01, v24;
	v11 =	vadd.f32 $1.000000050e-03, v11;
	v25 =	vsub.f32 $1.500000000e+00, v25  }
0x6a: {  	v15 =	vsub.f32 v31, v15;
	v23 =	vmul.f32 v23, v10;
	v22 =	vmul.f32 v22, v12  }
0x6b: {  	v27 =	vand.u32 $0x7FFFFF, v11;
	v18 =	vmul.f32 v18, v25;
	v25 =	vadd.f32 $1.000000000e+00, v28  }
0x6c: {  	v26 =	vmul.f32 v26, v26;
	v23 =	vsub.f32 $1.500000000e+00, v23;
	v27 =	vor.u32 $0x3F800000, v27  }
0x6d: {  	v29 =	vadd.f32 $1.000000000e+00, v27;
	(erf) = vrcp.f32 v25;
	v25 =	vmul.f32 v22, v19  }
0x6e: {  	v16 =	vmul.f32 v16, v16;
	v24 =	vshra.s32 v11, $0x17;
	v23 =	vmul.f32 v23, v10;
	v10 =	vpop (erf)  }
0x6f: {  	v12 =	vadd.f32 $1.000000050e-03, v10;
	v10 =	vpop (erf);
	(erf) = vrcp.f32 v29;
	v25 =	vmul.f32 v25, v22  }
0x70: {  	v15 =	vmul.f32 v15, v15;
	v24 =	vadd.s32 $0xFFFFFF81, v24;
	v10 =	vadd.f32 $1.000000050e-03, v10  }
0x71: {  	v28 =	vadd.f32 $-1.000000000e+00, v28;
	v32 =	vand.u32 $0x7FFFFF, v12;
	v25 =	vsub.f32 $1.500000000e+00, v25  }
0x72: {  	v21 =	vmul.f32 v23, v21;
	v33 =	vand.u32 $0x7FFFFF, v10;
	v32 =	vor.u32 $0x3F800000, v32  }
0x73: {  	v33 =	vor.u32 $0x3F800000, v33;
	v34 =	vadd.f32 $1.000000000e+00, v32;
	v22 =	vmul.f32 v25, v22  }
0x74: {  	v29 =	vmul.f32 v21, v23;
	v21 =	vmul.f32 v18, v14;
	v36 =	vadd.f32 $1.000000000e+00, v33  }
0x75: {  	v35 =	vshra.s32 v12, $0x17;
	(erf) = vrcp.f32 v34;
	v61 =	vmul.f32 v22, v19  }
0x76: {  	v21 =	vmul.f32 v21, v18;
	v25 =	vadd.s32 $0xFFFFFF81, v35;
	(erf) = vrcp.f32 v36  }
0x77: {  	v27 =	vadd.f32 $-1.000000000e+00, v27;
	v19 =	vcvt.s32.f32 v25;
	v62 =	vpop (erf);
	v25 =	vmul.f32 v61, v22  }
0x78: {  	v26 =	vadd.f32 $9.999999960e-13, v26;
	v24 =	vcvt.s32.f32 v24;
	v21 =	vsub.f32 $1.500000000e+00, v21;
	v17 =	vpop (erf)  }
0x79: {  	v31 =	vmul.f32 v62, v28;
	v17 =	vmul.f32 v17, v27;
	v27 =	vsub.f32 $1.500000000e+00, v25  }
0x7a: {  	v16 =	vadd.f32 v16, v26;
	v29 =	vsub.f32 $1.500000000e+00, v29;
	v21 =	vmul.f32 v21, v18  }
0x7b: {  	v60 =	vshra.s32 v10, $0x17;
	v63 =	vmul.f32 v31, v31;
	v22 =	vmul.f32 v27, v22  }
0x7c: {  	v25 =	vmul.f32 v29, v23;
	v23 =	vadd.s32 $0xFFFFFF81, v60;
	v30 =	vmul.f32 v17, v17  }
0x7d: {  	v32 =	vadd.f32 $-1.000000000e+00, v32;
	v23 =	vcvt.s32.f32 v23;
	v26 =	vmul.f32 $2.000000030e-01, v63  }
0x7e: {  	v18 =	vadd.f32 $-1.000000000e+00, v33;
	v29 =	vmul.f32 $2.000000030e-01, v30;
	v27 =	vpop (erf);
	v28 =	vmul.f32 v22, v20  }
0x7f: {  	s31 =	simm.s32 $0x1120;
	v20 =	vadd.f32 v15, v16;
	v16 =	vmul.f32 $6.931471820e-01, v23;
	v23 =	vmul.f32 v27, v32;
	v22 =	vpop (erf)  }
0x80: {  	[tilespmem:s31+$0x0] =	vst v8;
	v15 =	vadd.f32 $3.333333430e-01, v26;
	v27 =	vmul.f32 $6.931471820e-01, v24;
	v22 =	vmul.f32 v22, v18  }
0x81: {  	[tilespmem:s31+$0xFFFFFFF0] =	vst v11;
	v26 =	vmul.f32 $5.000000000e-01, v20;
	v18 =	vadd.f32 $3.333333430e-01, v29;
	v29 =	vshra.s32 v20, $0x1  }
0x82: {  	s18 =	simm.s32 $0x1420;
	s19 =	simm.s32 $0x4;
	[tilespmem:s31+$0x10] =	vst v12;
	v28 =	vmul.f32 $-1.000000000e+01, v28;
	v29 =	vsub.s32 $0x5F3759DF, v29;
	v24 =	vmul.f32 v22, v22  }
0x83: {  	s20 =	simm.s32 $0x80;
	s17 =	simm.s32 $0x1160;
	s16 =	simm.s32 $0x1460;
	[tilespmem:s31+$0xFFFFFFE0] =	vst v10;
	v18 =	vmul.f32 v18, v30;
	v30 =	vmul.f32 v15, v63;
	v15 =	vadd.f32 v31, v31  }
.LBB2_2:
0x84: {  	s0 =	sadd.s32 $0x10, s20;
	s1 =	sadd.s32 $0x20, s20;
	s21 =	sadd.s32 $0x30, s20;
	v31 =	vmul.f32 v29, v26;
	v14 =	vmul.f32 v21, v14;
	v32 =	vadd.f32 v17, v17  }
0x85: {  	s19 =	sadd.s32 $0x4, s19;
	v17 =	vmov s0;
	v33 =	vmov s1;
	v30 =	vadd.f32 $1.000000000e+00, v30  }
0x86: {  	v34 =	vmul.f32 v23, v23;
	p0 =	slt.u32 s19, $0x24;
	v17 =	vshra.s32 v17, $0x5;
	v33 =	vshra.s32 v33, $0x5  }
0x87: {  	v14 =	vmul.f32 v14, v21;
	v17 =	vmul.u32 $0x3, v17;
	v33 =	vmul.u32 $0x3, v33  }
0x88: {  	v35 =	vmov s21;
	v31 =	vmul.f32 v29, v31;
	v30 =	vmul.f32 v30, v15  }
0x89: {  	v37 =	vadd.f32 $1.000000000e+00, v18;
	v38 =	vmul.f32 $2.000000030e-01, v34;
	v15 =	vld.idx.msk [tilespmem:v3+s8+$0x0], $0xffff;
	v36 =	vbroadcast v17, $0x0  }
0x8a: {  	v31 =	vsub.f32 $1.500000000e+00, v31;
	v33 =	vbroadcast v33, $0x0;
	v13 =	vadd.f32 v30, v13;
	v17 =	vld.idx.msk [tilespmem:v2+s8+$0x0], $0xffff  }
0x8b: {  	v32 =	vmul.f32 v37, v32;
	v37 =	vadd.f32 $3.333333430e-01, v38;
	v18 =	vld.idx.msk [tilespmem:v1+s8+$0x0], $0xffff;
	v30 =	vadd.s32 $0x1, v36  }
0x8c: {  	v35 =	vshra.s32 v35, $0x5;
	v39 =	vadd.s32 $0x1, v33;
	v8 =	vmul.f32 v13, v8;
	v38 =	vld.idx.msk [tilespmem:v5+s8+$0x0], $0xffff  }
0x8d: {  	v35 =	vmul.u32 $0x3, v35;
	v34 =	vmul.f32 v37, v34;
	v40 =	vadd.s32 $0x2, v33;
	v13 =	vld.idx.msk [tilespmem:v6+s8+$0x0], $0xffff  }
0x8e: {  	v27 =	vadd.f32 v32, v27;
	v29 =	vmul.f32 v29, v31;
	v41 =	vadd.s32 $0x2, v36;
	v37 =	vld.idx.msk [tilespmem:v4+s8+$0x0], $0xffff  }
0x8f: {  	v28 =	vmul.f32 $1.442695020e+00, v28;
	v19 =	vmul.f32 $6.931471820e-01, v19;
	v31 =	vld.idx.msk [tilespmem:v36+s8+$0x0], $0xffff;
	[tilespmem:s18+$0x0] =	vst v8;
	v8 =	vadd.f32 $1.000000000e+00, v34  }
0x90: {  	v14 =	vsub.f32 $1.500000000e+00, v14;
	v11 =	vmul.f32 v27, v11;
	v32 =	vld.idx.msk [tilespmem:v33+s8+$0x0], $0xffff;
	v33 =	vbroadcast v35, $0x0  }
0x91: {  	v7 =	vmul.f32 v25, v7;
	v23 =	vadd.f32 v23, v23;
	v34 =	vmul.f32 v29, v26;
	v27 =	vld.idx.msk [tilespmem:v39+s8+$0x0], $0xffff  }
0x92: {  	v39 =	vmul.f32 $2.000000030e-01, v24;
	v25 =	vld.idx.msk [tilespmem:v40+s8+$0x0], $0xffff;
	v35 =	vadd.s32 $0x1, v33;
	v36 =	vadd.s32 $0x2, v33;
	[tilespmem:s18+$0xFFFFFFF0] =	vst v11  }
0x93: {  	v14 =	vmul.f32 v14, v21;
	v8 =	vmul.f32 v8, v23;
	v11 =	vld.idx.msk [tilespmem:v41+s8+$0x0], $0xffff  }
0x94: {  	v7 =	vmul.f32 $-1.000000000e+01, v7;
	v23 =	vmul.f32 v34, v29;
	v21 =	vld.idx.msk [tilespmem:v30+s8+$0x0], $0xffff;
	v30 =	vadd.f32 $3.333333430e-01, v39  }
0x95: {  	v9 =	vmul.f32 v14, v9;
	v14 =	vadd.f32 v22, v22;
	v31 =	vsub.f32 v31, v37  }
0x96: {  	v7 =	vmul.f32 $1.442695020e+00, v7;
	v8 =	vadd.f32 v8, v19;
	v22 =	vsub.f32 v32, v18;
	v32 =	vld.idx.msk [tilespmem:v33+s8+$0x0], $0xffff  }
0x97: {  	v19 =	vmul.f32 v31, v31;
	v27 =	vsub.f32 v27, v17;
	v24 =	vmul.f32 v30, v24;
	v31 =	vld.idx.msk [tilespmem:v35+s8+$0x0], $0xffff  }
0x98: {  	v23 =	vsub.f32 $1.500000000e+00, v23;
	v22 =	vmul.f32 v22, v22;
	v25 =	vsub.f32 v25, v15  }
0x99: {  	v8 =	vmul.f32 v8, v12;
	v19 =	vadd.f32 $9.999999960e-13, v19;
	v27 =	vmul.f32 v27, v27;
	v30 =	vld.idx.msk [tilespmem:v36+s8+$0x0], $0xffff  }
0x9a: {  	v9 =	vmul.f32 $-1.000000000e+01, v9;
	v12 =	vadd.f32 $9.999999960e-13, v22;
	v22 =	vmul.f32 v23, v29  }
0x9b: {  	v11 =	vsub.f32 v11, v13;
	(erf) = vpow2.f32 v7;
	v7 =	vadd.f32 $1.000000000e+00, v24;
	[tilespmem:s18+$0x10] =	vst v8  }
0x9c: {  	v23 =	vmul.f32 $1.442695020e+00, v9;
	v8 =	vsub.f32 v21, v38;
	v21 =	vmul.f32 v22, v26  }
0x9d: {  	v9 =	vsub.f32 v32, v37;
	v24 =	vsub.f32 v31, v38;
	v7 =	vmul.f32 v7, v14  }
0x9e: {  	v12 =	vadd.f32 v27, v12;
	v14 =	vmul.f32 v25, v25;
	v21 =	vmul.f32 v21, v22  }
0x9f: {  	v9 =	vmul.f32 v9, v9;
	v13 =	vsub.f32 v30, v13;
	v16 =	vadd.f32 v7, v16  }
0xa0: {  	v8 =	vmul.f32 v8, v8;
	v7 =	vadd.f32 v14, v12;
	v12 =	vsub.f32 $1.500000000e+00, v21  }
0xa1: {  	v9 =	vadd.f32 $9.999999960e-13, v9;
	v14 =	vmul.f32 v24, v24;
	v10 =	vmul.f32 v16, v10  }
0xa2: {  	v11 =	vmul.f32 v11, v11;
	v16 =	vshra.s32 v7, $0x1;
	v12 =	vmul.f32 v12, v22  }
0xa3: {  	v13 =	vmul.f32 v13, v13;
	v22 =	vmul.f32 $5.000000000e-01, v7;
	v21 =	vsub.s32 $0x5F3759DF, v16;
	[tilespmem:s18+$0xFFFFFFE0] =	vst v10;
	s18 =	smov.u32 s16  }
0xa4: {  	v9 =	vadd.f32 v14, v9;
	v10 =	vadd.f32 v8, v19;
	(erf) = vpow2.f32 v28;
	v8 =	vpop (erf)  }
0xa5: {  	v14 =	vmul.f32 v21, v22;
	v12 =	vmul.f32 v12, v20;
	v8 =	vadd.f32 $1.000000050e-03, v8  }
0xa6: {  	v9 =	vadd.f32 v13, v9;
	v16 =	vadd.f32 v11, v10;
	(erf) = vpow2.f32 v23  }
0xa7: {  	v10 =	vmul.f32 v21, v14;
	v11 =	vmul.f32 $-1.000000000e+01, v12;
	[tilespmem:s17+$0x0] =	vst v8;
	v12 =	vshra.s32 v8, $0x17  }
0xa8: {  	v13 =	vshra.s32 v16, $0x1;
	v19 =	vmul.f32 $5.000000000e-01, v16;
	v12 =	vadd.s32 $0xFFFFFF81, v12  }
0xa9: {  	v10 =	vsub.f32 $1.500000000e+00, v10;
	v11 =	vmul.f32 $1.442695020e+00, v11;
	v20 =	vsub.s32 $0x5F3759DF, v13  }
0xaa: {  	v14 =	vmul.f32 $5.000000000e-01, v9;
	v23 =	vshra.s32 v9, $0x1;
	v13 =	vmul.f32 v20, v19  }
0xab: {  	v10 =	vmul.f32 v21, v10;
	v21 =	vsub.s32 $0x5F3759DF, v23;
	(erf) = vpow2.f32 v11  }
0xac: {  	v11 =	vmul.f32 v20, v13;
	v13 =	vmul.f32 v21, v14  }
0xad: {  	v27 =	vcvt.s32.f32 v12;
	v23 =	vmul.f32 v10, v22;
	v24 =	vpop (erf)  }
0xae: {  	v25 =	vsub.f32 $1.500000000e+00, v11;
	v26 =	vmul.f32 v21, v13;
	v11 =	vadd.f32 $1.000000050e-03, v24  }
0xaf: {  	v23 =	vmul.f32 v23, v10;
	v13 =	vmul.f32 $6.931471820e-01, v27;
	v24 =	vmov s20;
	v12 =	vpop (erf)  }
0xb0: {  	v29 =	vand.u32 $0x7FFFFF, v8;
	[tilespmem:s17+$0xFFFFFFF0] =	vst v11;
	v27 =	vshra.s32 v11, $0x17;
	v28 =	vand.u32 $0x7FFFFF, v11  }
0xb1: {  	v24 =	vshra.s32 v24, $0x5;
	v23 =	vsub.f32 $1.500000000e+00, v23;
	v28 =	vor.u32 $0x3F800000, v28  }
0xb2: {  	v29 =	vor.u32 $0x3F800000, v29;
	v31 =	vsub.f32 $1.500000000e+00, v26;
	v24 =	vmul.u32 $0x3, v24  }
0xb3: {  	v23 =	vmul.f32 v23, v10;
	v27 =	vadd.s32 $0xFFFFFF81, v27;
	v30 =	vadd.f32 $1.000000000e+00, v28  }
0xb4: {  	v21 =	vmul.f32 v21, v31;
	v10 =	vadd.f32 $1.000000000e+00, v29;
	v24 =	vbroadcast v24, $0x0;
	v26 =	vpop (erf)  }
0xb5: {  	v20 =	vmul.f32 v20, v25;
	v12 =	vadd.f32 $1.000000050e-03, v12;
	v22 =	vmul.f32 v23, v22  }
0xb6: {  	v25 =	vor.u32 $0x1, v24;
	v31 =	vadd.s32 $0x2, v24;
	(erf) = vrcp.f32 v10  }
0xb7: {  	v32 =	vmul.f32 v20, v19;
	v10 =	vadd.f32 $1.000000050e-03, v26;
	[tilespmem:s17+$0x10] =	vst v12;
	(erf) = vrcp.f32 v30  }
0xb8: {  	v22 =	vmul.f32 v22, v23;
	v26 =	vmul.f32 v21, v14;
	v30 =	vand.u32 $0x7FFFFF, v12  }
0xb9: {  	v32 =	vmul.f32 v32, v20;
	v33 =	vand.u32 $0x7FFFFF, v10;
	v30 =	vor.u32 $0x3F800000, v30;
	[tilespmem:s17+$0xFFFFFFE0] =	vst v10  }
0xba: {  	v26 =	vmul.f32 v26, v21;
	v33 =	vor.u32 $0x3F800000, v33;
	v34 =	vadd.f32 $1.000000000e+00, v30;
	v24 =	vld.idx.msk [tilespmem:v24+s8+$0x0], $0xffff  }
0xbb: {  	v27 =	vcvt.s32.f32 v27;
	v35 =	vshra.s32 v12, $0x17;
	v32 =	vsub.f32 $1.500000000e+00, v32;
	v25 =	vld.idx.msk [tilespmem:v25+s8+$0x0], $0xffff  }
0xbc: {  	v26 =	vsub.f32 $1.500000000e+00, v26;
	v36 =	vadd.f32 $1.000000000e+00, v33;
	v31 =	vld.idx.msk [tilespmem:v31+s8+$0x0], $0xffff;
	(erf) = vrcp.f32 v34  }
0xbd: {  	v20 =	vmul.f32 v32, v20;
	v32 =	vshra.s32 v10, $0x17;
	v34 =	vadd.s32 $0xFFFFFF81, v35  }
0xbe: {  	v21 =	vmul.f32 v26, v21;
	v26 =	vadd.f32 $-1.000000000e+00, v33;
	(erf) = vrcp.f32 v36  }
0xbf: {  	v28 =	vadd.f32 $-1.000000000e+00, v28;
	v22 =	vsub.f32 $1.500000000e+00, v22;
	v33 =	vmul.f32 v20, v19;
	v35 =	vpop (erf)  }
0xc0: {  	v19 =	vcvt.s32.f32 v34;
	v18 =	vsub.f32 v24, v18;
	v24 =	vadd.f32 $-1.000000000e+00, v29;
	v29 =	vpop (erf)  }
0xc1: {  	v33 =	vmul.f32 v33, v20;
	v25 =	vsub.f32 v25, v17;
	v17 =	vmul.f32 v29, v28  }
0xc2: {  	v18 =	vmul.f32 v18, v18;
	v15 =	vsub.f32 v31, v15;
	v31 =	vmul.f32 v35, v24  }
0xc3: {  	v28 =	vsub.f32 $1.500000000e+00, v33;
	v24 =	vmul.f32 v25, v25;
	v33 =	vmul.f32 v17, v17  }
0xc4: {  	v25 =	vmul.f32 v22, v23;
	v18 =	vadd.f32 $9.999999960e-13, v18;
	v34 =	vmul.f32 v31, v31  }
0xc5: {  	v22 =	vadd.s32 $0xFFFFFF81, v32;
	v15 =	vmul.f32 v15, v15;
	v20 =	vmul.f32 v28, v20;
	v23 =	vpop (erf)  }
0xc6: {  	v22 =	vcvt.s32.f32 v22;
	v18 =	vadd.f32 v24, v18;
	v24 =	vmul.f32 $2.000000030e-01, v34  }
0xc7: {  	v30 =	vadd.f32 $-1.000000000e+00, v30;
	v28 =	vmul.f32 v20, v16;
	v29 =	vmul.f32 $2.000000030e-01, v33;
	v32 =	vpop (erf)  }
.Ltmp0:
0xc8: {  	v16 =	vmul.f32 $6.931471820e-01, v22;
	v20 =	vadd.f32 v15, v18;
	v15 =	vadd.f32 $3.333333430e-01, v24;
	(pc) =	sbr.rel @p0 .LBB2_2-.Ltmp0, $4  }
0xc9: {  	v23 =	vmul.f32 v23, v30;
	v18 =	vadd.f32 $3.333333430e-01, v29;
	v22 =	vmul.f32 v32, v26  }
0xca: {  	v27 =	vmul.f32 $6.931471820e-01, v27;
	v24 =	vshra.s32 v20, $0x1;
	v26 =	vmul.f32 $5.000000000e-01, v20  }
0xcb: {  	v28 =	vmul.f32 $-1.000000000e+01, v28;
	v29 =	vsub.s32 $0x5F3759DF, v24;
	v24 =	vmul.f32 v22, v22  }
0xcc: {  	s16 =	sadd.s32 $0x40, s16;
	s20 =	sadd.s32 $0x40, s20;
	s17 =	sadd.s32 $0x40, s17;
	v18 =	vmul.f32 v18, v33;
	v30 =	vmul.f32 v15, v34;
	v15 =	vadd.f32 v31, v31  }
0xcd: {  	v31 =	vmul.f32 v29, v26;
	_ =	sdelay $0x1  }
0xce: {  	v31 =	vmul.f32 v29, v31;
	_ =	sdelay $0x1  }
0xcf: {  	v31 =	vsub.f32 $1.500000000e+00, v31;
	_ =	sdelay $0x1  }
0xd0: {  	v38 =	vmul.f32 v29, v31;
	_ =	sdelay $0x1  }
0xd1: {  	v31 =	vmul.f32 v38, v26;
	_ =	sdelay $0x1  }
0xd2: {  	v31 =	vmul.f32 v31, v38;
	_ =	sdelay $0x1  }
0xd3: {  	v31 =	vsub.f32 $1.500000000e+00, v31;
	_ =	sdelay $0x1  }
0xd4: {  	v29 =	vmul.f32 v31, v38  }
0xd5: {  	v14 =	vmul.f32 v21, v14  }
0xd6: {  	v39 =	vmul.f32 v29, v26  }
0xd7: {  	v14 =	vmul.f32 v14, v21  }
0xd8: {  	v26 =	vmul.f32 v39, v29  }
0xd9: {  	v7 =	vmul.f32 v25, v7;
	v14 =	vsub.f32 $1.500000000e+00, v14  }
0xda: {  	v26 =	vsub.f32 $1.500000000e+00, v26  }
0xdb: {  	v7 =	vmul.f32 $-1.000000000e+01, v7;
	v14 =	vmul.f32 v14, v21  }
0xdc: {  	v40 =	vmul.f32 v26, v29  }
0xdd: {  	v7 =	vmul.f32 $1.442695020e+00, v7;
	v9 =	vmul.f32 v14, v9  }
0xde: {  	v42 =	vmul.f32 $1.442695020e+00, v28;
	v41 =	vmul.f32 v40, v20  }
0xdf: {  	(erf) = vpow2.f32 v7;
	v9 =	vmul.f32 $-1.000000000e+01, v9  }
0xe0: {  	(erf) = vpow2.f32 v42;
	v14 =	vmul.f32 $-1.000000000e+01, v41  }
0xe1: {  	v7 =	vmul.f32 $1.442695020e+00, v9  }
0xe2: {  	v43 =	vmul.f32 $1.442695020e+00, v14  }
0xe3: {  	(erf) = vpow2.f32 v7  }
0xe4: {  	v7 =	vmul.f32 v23, v23;
	(erf) = vpow2.f32 v43;
	_ =	sdelay $0x1  }
0xe5: {  	v44 =	vmul.f32 $2.000000030e-01, v7  }
0xe6: {  	v17 =	vadd.f32 v17, v17;
	v18 =	vadd.f32 $1.000000000e+00, v18  }
0xe7: {  	v47 =	vpop (erf);
	v9 =	vadd.f32 $3.333333430e-01, v44  }
0xe8: {  	v46 =	vmul.f32 $2.000000030e-01, v24;
	v17 =	vmul.f32 v18, v17;
	v49 =	vpop (erf)  }
0xe9: {  	v18 =	vadd.f32 $1.000000050e-03, v49;
	v7 =	vmul.f32 v9, v7;
	v9 =	vadd.f32 $1.000000050e-03, v47  }
0xea: {  	v60 =	vadd.f32 v23, v23;
	v62 =	vmul.f32 $6.931471820e-01, v19;
	v45 =	vadd.f32 $1.000000000e+00, v30  }
0xeb: {  	v48 =	vadd.f32 $3.333333430e-01, v46;
	v53 =	vand.u32 $0x7FFFFF, v18;
	v51 =	vand.u32 $0x7FFFFF, v9;
	v50 =	vpop (erf)  }
0xec: {  	v25 =	vor.u32 $0x3F800000, v53;
	v21 =	vor.u32 $0x3F800000, v51;
	v20 =	vadd.f32 $1.000000050e-03, v50;
	v52 =	vpop (erf)  }
0xed: {  	v14 =	vmul.f32 v45, v15;
	v15 =	vmul.f32 v48, v24;
	v24 =	vadd.f32 $1.000000050e-03, v52  }
0xee: {  	v56 =	vadd.f32 $1.000000000e+00, v25;
	v54 =	vadd.f32 $1.000000000e+00, v21;
	v55 =	vand.u32 $0x7FFFFF, v20  }
0xef: {  	v7 =	vadd.f32 $1.000000000e+00, v7;
	v28 =	vor.u32 $0x3F800000, v55;
	v57 =	vand.u32 $0x7FFFFF, v24  }
0xf0: {  	v59 =	vadd.f32 $1.000000000e+00, v28;
	(erf) = vrcp.f32 v54;
	v58 =	vor.u32 $0x3F800000, v57  }
0xf1: {  	v63 =	vadd.f32 v17, v27;
	(erf) = vrcp.f32 v56;
	v61 =	vadd.f32 $1.000000000e+00, v58  }
0xf2: {  	v7 =	vmul.f32 v7, v60;
	(erf) = vrcp.f32 v59  }
0xf3: {  	v22 =	vadd.f32 v22, v22;
	v11 =	vmul.f32 v63, v11;
	(erf) = vrcp.f32 v61  }
0xf4: {  	v31 =	vshra.s32 v18, $0x17;
	v32 =	vadd.f32 $-1.000000000e+00, v25;
	v7 =	vadd.f32 v7, v62  }
0xf5: {  	v30 =	vadd.f32 $-1.000000000e+00, v21;
	v40 =	vshra.s32 v20, $0x17;
	v15 =	vadd.f32 $1.000000000e+00, v15  }
0xf6: {  	v7 =	vmul.f32 v7, v12;
	v13 =	vadd.f32 v14, v13;
	v14 =	vadd.s32 $0xFFFFFF81, v31  }
0xf7: {  	v17 =	vadd.s32 $0xFFFFFF81, v40;
	v14 =	vcvt.s32.f32 v14;
	v15 =	vmul.f32 v15, v22  }
0xf8: {  	v17 =	vcvt.s32.f32 v17;
	v8 =	vmul.f32 v13, v8;
	v22 =	vshra.s32 v9, $0x17  }
0xf9: {  	v27 =	vadd.s32 $0xFFFFFF81, v22;
	v14 =	vmul.f32 $6.931471820e-01, v14;
	v23 =	vadd.f32 v15, v16;
	v33 =	vpop (erf)  }
0xfa: {  	v35 =	vadd.f32 $-1.000000000e+00, v28;
	v29 =	vcvt.s32.f32 v27;
	v34 =	vpop (erf);
	v12 =	vmul.f32 v33, v30  }
0xfb: {  	v10 =	vmul.f32 v23, v10;
	v15 =	vmul.f32 v34, v32;
	v37 =	vpop (erf);
	v36 =	vadd.f32 $-1.000000000e+00, v58  }
0xfc: {  	v38 =	vmul.f32 v12, v12;
	v16 =	vmul.f32 v37, v35;
	v39 =	vpop (erf)  }
0xfd: {  	v41 =	vmul.f32 v15, v15;
	v19 =	vmul.f32 v39, v36  }
0xfe: {  	v43 =	vmul.f32 $2.000000030e-01, v38;
	v44 =	vmul.f32 v16, v16  }
0xff: {  	v45 =	vmul.f32 $2.000000030e-01, v41;
	v46 =	vmul.f32 v19, v19  }
0x100: {  	v13 =	vmul.f32 $6.931471820e-01, v29;
	v25 =	vadd.f32 $3.333333430e-01, v43;
	v47 =	vmul.f32 $2.000000030e-01, v44  }
0x101: {  	v42 =	vshra.s32 v24, $0x17;
	v27 =	vadd.f32 $3.333333430e-01, v45;
	v48 =	vmul.f32 $2.000000030e-01, v46  }
0x102: {  	v22 =	vadd.s32 $0xFFFFFF81, v42;
	v21 =	vmul.f32 v25, v38;
	v49 =	vadd.f32 $3.333333430e-01, v47  }
0x103: {  	[tilespmem:s18+$0x0] =	vst v8;
	v8 =	vadd.f32 v12, v12;
	v23 =	vmul.f32 v27, v41;
	v50 =	vadd.f32 $3.333333430e-01, v48  }
0x104: {  	v22 =	vcvt.s32.f32 v22;
	v51 =	vadd.f32 $1.000000000e+00, v21;
	v52 =	vmul.f32 v49, v44  }
0x105: {  	[tilespmem:s18+$0xFFFFFFF0] =	vst v11;
	v53 =	vadd.f32 v15, v15;
	v54 =	vadd.f32 $1.000000000e+00, v23;
	v55 =	vmul.f32 v50, v46  }
0x106: {  	[tilespmem:s18+$0x10] =	vst v7;
	v56 =	vadd.f32 v16, v16;
	v7 =	vmul.f32 v51, v8;
	v8 =	vadd.f32 $1.000000000e+00, v52  }
0x107: {  	[tilespmem:s17+$0xFFFFFFF0] =	vst v18;
	v57 =	vmul.f32 v54, v53;
	v58 =	vadd.f32 v19, v19;
	v59 =	vadd.f32 $1.000000000e+00, v55  }
0x108: {  	[tilespmem:s17+$0x0] =	vst v9;
	v60 =	vmul.f32 $6.931471820e-01, v17;
	v7 =	vadd.f32 v7, v13;
	v8 =	vmul.f32 v8, v56  }
0x109: {  	[tilespmem:s18+$0xFFFFFFE0] =	vst v10;
	v61 =	vmul.f32 $6.931471820e-01, v22;
	v10 =	vadd.f32 v57, v14;
	v11 =	vmul.f32 v59, v58  }
0x10a: {  	[tilespmem:s17+$0x10] =	vst v20;
	v7 =	vmul.f32 v7, v9;
	v8 =	vadd.f32 v8, v60  }
0x10b: {  	[tilespmem:s17+$0xFFFFFFE0] =	vst v24;
	v62 =	vmul.f32 v10, v18;
	v63 =	vadd.f32 v11, v61  }
0x10c: {  	[tilespmem:s16+$0x0] =	vst v7;
	v7 =	vmul.f32 v8, v20  }
0x10d: {  	[tilespmem:s16+$0xFFFFFFF0] =	vst v62;
	v8 =	vmul.f32 v63, v24  }
0x10e: {  	[tilespmem:s16+$0x10] =	vst v7  }
0x10f: {  	s19 =	simm.s32 $0x1680;
	s18 =	simm.s32 $0x1380;
	s17 =	simm.s32 $0x280;
	[tilespmem:s16+$0xFFFFFFE0] =	vst v8  }
.LBB2_4:
0x110: {  	v7 =	vmov s17  }
0x111: {  	v8 =	vor.u32 s17, v0;
	v7 =	vshrl.u32 v7, $0x5  }
0x112: {  	v8 =	vand.u32 $0x1F, v8;
	v7 =	vmul.u32 $0x3, v7  }
0x113: {  	v8 =	vmul.u32 $0x3, v8;
	_ =	sdelay $0x1  }
0x114: {  	v9 =	vadd.s32 $0x1, v7  }
0x115: {  	v10 =	vadd.s32 $0x1, v8  }
0x116: {  	v11 =	vadd.s32 $0x2, v7  }
0x117: {  	v12 =	vadd.s32 $0x2, v8;
	v7 =	vld.idx.msk [tilespmem:v7+s8+$0x0], $0xffff  }
0x118: {  	v8 =	vld.idx.msk [tilespmem:v8+s8+$0x0], $0xffff  }
0x119: {  	v9 =	vld.idx.msk [tilespmem:v9+s8+$0x0], $0xffff  }
0x11a: {  	v10 =	vld.idx.msk [tilespmem:v10+s8+$0x0], $0xffff  }
0x11b: {  	v11 =	vld.idx.msk [tilespmem:v11+s8+$0x0], $0xffff  }
0x11c: {  	v12 =	vld.idx.msk [tilespmem:v12+s8+$0x0], $0xffff  }
0x11d: {  	v7 =	vsub.f32 v7, v8;
	_ =	sdelay $0x1  }
0x11e: {  	v8 =	vsub.f32 v9, v10;
	v7 =	vmul.f32 v7, v7;
	_ =	sdelay $0x1  }
0x11f: {  	v57 =	vsub.f32 v11, v12;
	v8 =	vmul.f32 v8, v8;
	v7 =	vadd.f32 $9.999999960e-13, v7;
	_ =	sdelay $0x1  }
0x120: {  	v7 =	vadd.f32 v8, v7;
	v8 =	vmul.f32 v57, v57;
	_ =	sdelay $0x1  }
0x121: {  	v7 =	vadd.f32 v8, v7;
	_ =	sdelay $0x1  }
0x122: {  	v8 =	vshra.s32 v7, $0x1;
	v58 =	vmul.f32 $5.000000000e-01, v7  }
0x123: {  	v8 =	vsub.s32 $0x5F3759DF, v8  }
0x124: {  	v59 =	vmul.f32 v8, v58;
	_ =	sdelay $0x1  }
0x125: {  	v10 =	vmul.f32 v8, v59;
	_ =	sdelay $0x1  }
0x126: {  	v10 =	vsub.f32 $1.500000000e+00, v10;
	_ =	sdelay $0x1  }
0x127: {  	v8 =	vmul.f32 v8, v10;
	_ =	sdelay $0x1  }
0x128: {  	v10 =	vmul.f32 v8, v58;
	_ =	sdelay $0x1  }
0x129: {  	v10 =	vmul.f32 v10, v8;
	_ =	sdelay $0x1  }
0x12a: {  	v10 =	vsub.f32 $1.500000000e+00, v10;
	_ =	sdelay $0x1  }
0x12b: {  	v8 =	vmul.f32 v10, v8;
	_ =	sdelay $0x1  }
0x12c: {  	v9 =	vmul.f32 v8, v58;
	_ =	sdelay $0x1  }
0x12d: {  	v9 =	vmul.f32 v9, v8;
	_ =	sdelay $0x1  }
0x12e: {  	v9 =	vsub.f32 $1.500000000e+00, v9;
	_ =	sdelay $0x1  }
0x12f: {  	v8 =	vmul.f32 v9, v8;
	_ =	sdelay $0x1  }
0x130: {  	v7 =	vmul.f32 v8, v7;
	_ =	sdelay $0x1  }
0x131: {  	v7 =	vmul.f32 $-1.000000000e+01, v7;
	_ =	sdelay $0x1  }
0x132: {  	v7 =	vmul.f32 $1.442695020e+00, v7;
	_ =	sdelay $0x1  }
0x133: {  	(erf) = vpow2.f32 v7;
	_ =	sdelay $0x8  }
0x134: {  	v7 =	vpop (erf)  }
0x135: {  	v7 =	vadd.f32 $1.000000050e-03, v7;
	_ =	sdelay $0x1  }
0x136: {  	v8 =	vand.u32 $0x7FFFFF, v7  }
0x137: {  	v8 =	vor.u32 $0x3F800000, v8  }
0x138: {  	v60 =	vadd.f32 $1.000000000e+00, v8;
	_ =	sdelay $0x1  }
0x139: {  	(erf) = vrcp.f32 v60;
	_ =	sdelay $0x7  }
0x13a: {  	v8 =	vadd.f32 $-1.000000000e+00, v8  }
0x13b: {  	v9 =	vpop (erf)  }
0x13c: {  	v8 =	vmul.f32 v9, v8;
	_ =	sdelay $0x1  }
0x13d: {  	v9 =	vmul.f32 v8, v8;
	_ =	sdelay $0x1  }
0x13e: {  	v61 =	vmul.f32 $2.000000030e-01, v9;
	_ =	sdelay $0x1  }
0x13f: {  	v10 =	vadd.f32 $3.333333430e-01, v61;
	_ =	sdelay $0x1  }
0x140: {  	v62 =	vshra.s32 v7, $0x17;
	v9 =	vmul.f32 v10, v9  }
0x141: {  	v63 =	vadd.s32 $0xFFFFFF81, v62  }
0x142: {  	v8 =	vadd.f32 v8, v8;
	v10 =	vcvt.s32.f32 v63;
	v9 =	vadd.f32 $1.000000000e+00, v9;
	_ =	sdelay $0x1  }
0x143: {  	v10 =	vmul.f32 $6.931471820e-01, v10;
	v8 =	vmul.f32 v9, v8  }
0x144: {  	p0 =	sne.s32 s17, $0x290  }
.Ltmp1:
0x145: {  	v8 =	vadd.f32 v8, v10;
	(pc) =	sbr.rel @p0 .LBB2_4-.Ltmp1, $4  }
0x146: {  	_ = 	snop  }
0x147: {  	v8 =	vmul.f32 v8, v7  }
0x148: {  	[tilespmem:s18+$0x0] =	vst v7  }
0x149: {  	s17 =	sadd.s32 $0x10, s17;
	s18 =	sadd.s32 $0x10, s18;
	[tilespmem:s19+$0x0] =	vst v8;
	s19 =	sadd.s32 $0x10, s19  }
0x14a: {  	v7 =	vld [tilespmem:$0x1070];
	_ =	sdelay $0x4  }
0x14b: {  	v7 =	vmul.f32 $1.442695020e+00, v7;
	_ =	sdelay $0x1  }
0x14c: {  	(erf) = vpow2.f32 v7;
	_ =	sdelay $0x8  }
0x14d: {  	v8 =	vpop (erf)  }
0x14e: {  	s0 =	simm.s32 $0x30;
	s1 =	simm.s32 $0x0;
	v7 =	vld [tilespmem:$0x1060];
	_ =	swait.ge [sflag:s10], $0x1000  }
0x14f: {  	s1 =	sand.u32 $0x3FFFFC00, s1;
	s21 =	sand.u32 $0x70, s0;
	[sflag:s10] =	ssyncset.done $0x0  }
0x150: {  	s0 =	sor.u32 s21, s1;
	[sflag:s10] =	ssyncadd.s32 $0xFFFFF000  }
0x151: {  	v9 =	vld [tilespmem:s0+$0x0]  }
0x152: {  	v10 =	vld [tilespmem:s0+$0x80]  }
0x153: {  	s16 =	simm.s32 $0x0;
	v11 =	vld [tilespmem:s0+$0x100]  }
0x154: {  	s17 =	simm.s32 $0x10;
	s24 =	sand.u32 $0x40, s16;
	v12 =	vld [tilespmem:s0+$0x180]  }
0x155: {  	s25 =	simm.s32 $0x20;
	s23 =	sand.u32 $0x50, s17;
	s26 =	sor.u32 s24, s1;
	v13 =	vld [tilespmem:s0+$0x200]  }
0x156: {  	s22 =	sand.u32 $0x60, s25;
	s28 =	sor.u32 s23, s1;
	v14 =	vld [tilespmem:s26+$0x0]  }
0x157: {  	s1 =	sor.u32 s22, s1;
	v15 =	vld [tilespmem:s28+$0x0]  }
0x158: {  	v16 =	vld [tilespmem:s1+$0x0]  }
0x159: {  	v17 =	vld [tilespmem:s26+$0x80]  }
0x15a: {  	v18 =	vld [tilespmem:s26+$0x100]  }
0x15b: {  	v19 =	vld [tilespmem:s26+$0x180]  }
0x15c: {  	v20 =	vld [tilespmem:s26+$0x200]  }
0x15d: {  	v21 =	vld [tilespmem:s28+$0x80]  }
0x15e: {  	v22 =	vld [tilespmem:s28+$0x100]  }
0x15f: {  	s29 =	simm.s32 $0x200;
	s20 =	simm.s32 $0x70;
	v24 =	vld [tilespmem:s28+$0x180]  }
0x160: {  	s17 =	sand.u32 $0x70, s20;
	v25 =	vld [tilespmem:s28+$0x200];
	s0 =	sand.u32 $0x3FFFFC00, s29;
	v9 =	vshll.u32 v9, $0x5  }
0x161: {  	v28 =	vld [tilespmem:s1+$0x80];
	s30 =	sor.u32 s17, s0;
	v10 =	vadd.s32 v10, v9  }
0x162: {  	s31 =	simm.s32 $0x40;
	v43 =	vld [tilespmem:s30+$0x0];
	v11 =	vadd.s32 v9, v11  }
0x163: {  	s19 =	sand.u32 $0x40, s31;
	v61 =	vld [tilespmem:s30+$0x100];
	v12 =	vadd.s32 v9, v12  }
0x164: {  	s26 =	sor.u32 s19, s0;
	v45 =	vld [tilespmem:s30+$0x200];
	v9 =	vadd.s32 v9, v13  }
0x165: {  	v46 =	vld [tilespmem:s26+$0x0]  }
0x166: {  	v13 =	vld.idx.msk [tilespmem:v10+s11+$0x0], $0xffff  }
0x167: {  	s18 =	simm.s32 $0x50;
	v27 =	vld.idx.msk [tilespmem:v11+s11+$0x0], $0xffff  }
0x168: {  	s18 =	sand.u32 $0x50, s18;
	v26 =	vld.idx.msk [tilespmem:v12+s11+$0x0], $0xffff  }
0x169: {  	s14 =	sor.u32 s18, s0;
	v23 =	vld.idx.msk [tilespmem:v9+s11+$0x0], $0xffff  }
0x16a: {  	v47 =	vld [tilespmem:s14+$0x0];
	v14 =	vshll.u32 v14, $0x5  }
0x16b: {  	v33 =	vadd.s32 v17, v14;
	v17 =	vld [tilespmem:s1+$0x100]  }
0x16c: {  	v34 =	vadd.s32 v14, v18;
	v35 =	vadd.s32 v14, v19;
	v36 =	vadd.s32 v14, v20;
	v14 =	vld [tilespmem:s1+$0x180]  }
0x16d: {  	v18 =	vld [tilespmem:s1+$0x200]  }
0x16e: {  	v10 =	vld.idx.msk [tilespmem:v10+s12+$0x0], $0xffff;
	v19 =	vadd.f32 v27, v13;
	v20 =	vadd.f32 v23, v26  }
0x16f: {  	v11 =	vld.idx.msk [tilespmem:v11+s12+$0x0], $0xffff  }
0x170: {  	v15 =	vshll.u32 v15, $0x5;
	v12 =	vld.idx.msk [tilespmem:v12+s12+$0x0], $0xffff;
	v32 =	vadd.f32 v20, v19  }
0x171: {  	v21 =	vadd.s32 v21, v15;
	v9 =	vld.idx.msk [tilespmem:v9+s12+$0x0], $0xffff  }
0x172: {  	v37 =	vadd.s32 v15, v24;
	v29 =	vld.idx.msk [tilespmem:v33+s11+$0x0], $0xffff;
	(erf) = vrcp.f32 v32  }
0x173: {  	v16 =	vshll.u32 v16, $0x5;
	v25 =	vadd.s32 v15, v25;
	v30 =	vld.idx.msk [tilespmem:v34+s11+$0x0], $0xffff  }
0x174: {  	v38 =	vadd.s32 v28, v16;
	v31 =	vld.idx.msk [tilespmem:v35+s11+$0x0], $0xffff  }
0x175: {  	v28 =	vld.idx.msk [tilespmem:v36+s11+$0x0], $0xffff  }
0x176: {  	v24 =	vld.idx.msk [tilespmem:v21+s11+$0x0], $0xffff  }
0x177: {  	v41 =	vadd.s32 v16, v18;
	v18 =	vld.idx.msk [tilespmem:v37+s11+$0x0], $0xffff  }
0x178: {  	v39 =	vadd.s32 v16, v17;
	v17 =	vld.idx.msk [tilespmem:v25+s11+$0x0], $0xffff;
	v10 =	vadd.f32 v11, v10;
	v9 =	vadd.f32 v9, v12  }
0x179: {  	v40 =	vadd.s32 v16, v14;
	v16 =	vld.idx.msk [tilespmem:v38+s11+$0x0], $0xffff  }
0x17a: {  	v22 =	vadd.s32 v15, v22;
	v36 =	vld.idx.msk [tilespmem:v36+s12+$0x0], $0xffff;
	v9 =	vadd.f32 v9, v10  }
0x17b: {  	v10 =	vld.idx.msk [tilespmem:v33+s12+$0x0], $0xffff;
	v33 =	vpop (erf)  }
0x17c: {  	v42 =	vld.idx.msk [tilespmem:v21+s12+$0x0], $0xffff;
	v9 =	vmul.f32 v33, v9  }
0x17d: {  	v15 =	vld.idx.msk [tilespmem:v39+s11+$0x0], $0xffff;
	v52 =	vadd.f32 v30, v29;
	v53 =	vadd.f32 v28, v31  }
0x17e: {  	v14 =	vld.idx.msk [tilespmem:v41+s11+$0x0], $0xffff;
	v9 =	vmul.f32 $1.442695020e+00, v9  }
0x17f: {  	v19 =	vld.idx.msk [tilespmem:v22+s11+$0x0], $0xffff;
	v21 =	vadd.f32 v53, v52  }
0x180: {  	v20 =	vld.idx.msk [tilespmem:v40+s11+$0x0], $0xffff;
	(erf) = vpow2.f32 v9  }
0x181: {  	v11 =	vld.idx.msk [tilespmem:v34+s12+$0x0], $0xffff;
	(erf) = vrcp.f32 v21  }
0x182: {  	v12 =	vld.idx.msk [tilespmem:v35+s12+$0x0], $0xffff  }
0x183: {  	v54 =	vld.idx.msk [tilespmem:v22+s12+$0x0], $0xffff  }
0x184: {  	v55 =	vld.idx.msk [tilespmem:v25+s12+$0x0], $0xffff;
	v25 =	vadd.f32 v17, v18;
	v22 =	vadd.f32 v19, v24  }
0x185: {  	v56 =	vld.idx.msk [tilespmem:v38+s12+$0x0], $0xffff;
	v60 =	vadd.f32 v14, v20  }
0x186: {  	v57 =	vld.idx.msk [tilespmem:v39+s12+$0x0], $0xffff;
	v22 =	vadd.f32 v25, v22;
	v25 =	vadd.f32 v15, v16  }
0x187: {  	v58 =	vld.idx.msk [tilespmem:v40+s12+$0x0], $0xffff;
	v10 =	vadd.f32 v11, v10;
	v11 =	vadd.f32 v36, v12  }
0x188: {  	v12 =	vld [tilespmem:s30+$0x80];
	v25 =	vadd.f32 v60, v25  }
0x189: {  	s13 =	simm.s32 $0x60;
	v59 =	vld.idx.msk [tilespmem:v41+s12+$0x0], $0xffff;
	v10 =	vadd.f32 v11, v10;
	(erf) = vrcp.f32 v22;
	v62 =	vpop (erf)  }
0x18a: {  	s16 =	sand.u32 $0x60, s13;
	v9 =	vld.idx.msk [tilespmem:v37+s12+$0x0], $0xffff;
	(erf) = vrcp.f32 v25;
	v41 =	vmul.f32 v62, v8;
	v44 =	vpop (erf)  }
0x18b: {  	s25 =	sor.u32 s16, s0;
	v11 =	vld [tilespmem:s30+$0x180];
	v10 =	vmul.f32 v44, v10  }
0x18c: {  	v49 =	vld [tilespmem:s25+$0x0];
	v43 =	vshll.u32 v43, $0x5;
	v41 =	vadd.f32 v41, v32  }
0x18d: {  	v50 =	vld [tilespmem:s14+$0x80];
	v48 =	vadd.s32 v12, v43;
	v10 =	vmul.f32 $1.442695020e+00, v10  }
0x18e: {  	v63 =	vadd.s32 v43, v45;
	v34 =	vld [tilespmem:s26+$0x80];
	v36 =	vadd.s32 v43, v61;
	(erf) = vrcp.f32 v41  }
0x18f: {  	v35 =	vld [tilespmem:s26+$0x100];
	v12 =	vadd.f32 v54, v42;
	v9 =	vadd.f32 v55, v9;
	(erf) = vpow2.f32 v10  }
0x190: {  	v60 =	vld [tilespmem:s26+$0x200];
	v41 =	vadd.s32 v43, v11;
	v11 =	vadd.f32 v59, v58;
	v10 =	vadd.f32 v57, v56  }
0x191: {  	v37 =	vld [tilespmem:s26+$0x180];
	v9 =	vadd.f32 v9, v12  }
0x192: {  	v12 =	vld.idx.msk [tilespmem:v48+s11+$0x0], $0xffff;
	v38 =	vpop (erf);
	v39 =	vadd.f32 v11, v10  }
0x193: {  	v59 =	vmul.f32 v38, v9;
	v43 =	vpop (erf);
	v9 =	vld.idx.msk [tilespmem:v63+s11+$0x0], $0xffff  }
0x194: {  	s26 =	simm.s32 $0x0;
	v10 =	vld.idx.msk [tilespmem:v36+s11+$0x0], $0xffff;
	v39 =	vmul.f32 v43, v39  }
0x195: {  	v27 =	vmul.f32 v33, v27;
	s0 =	sand.u32 $0x3FFFFE00, s26;
	v40 =	vmul.f32 $1.442695020e+00, v59;
	v11 =	vld.idx.msk [tilespmem:v41+s11+$0x0], $0xffff  }
0x196: {  	v53 =	vld [tilespmem:s14+$0x200];
	v23 =	vmul.f32 v33, v23;
	s28 =	sadd.s32 $0x1700, s0;
	v39 =	vmul.f32 $1.442695020e+00, v39  }
0x197: {  	v26 =	vmul.f32 v33, v26;
	s0 =	sor.u32 s21, s28;
	v57 =	vld [tilespmem:s25+$0x80];
	(erf) = vpow2.f32 v40;
	v51 =	vpop (erf)  }
0x198: {  	v46 =	vshll.u32 v46, $0x5;
	v61 =	vld [tilespmem:s14+$0x100];
	[tilespmem:s0+$0x180] =	vst v23;
	v29 =	vmul.f32 v44, v29;
	(erf) = vpow2.f32 v39;
	v62 =	vpop (erf)  }
0x199: {  	v23 =	vadd.s32 v46, v37;
	v32 =	vmul.f32 v32, v7;
	v63 =	vld.idx.msk [tilespmem:v63+s12+$0x0], $0xffff;
	v39 =	vmul.f32 v62, v8  }
0x19a: {  	v24 =	vmul.f32 v38, v24;
	v58 =	vld [tilespmem:s25+$0x200];
	v54 =	vadd.f32 v10, v12;
	v55 =	vadd.f32 v9, v11  }
0x19b: {  	[tilespmem:s0+$0x80] =	vst v27;
	v56 =	vmul.f32 v33, v13;
	v59 =	vshll.u32 v49, $0x5;
	v27 =	vld.idx.msk [tilespmem:v41+s12+$0x0], $0xffff;
	v39 =	vadd.f32 v39, v21  }
0x19c: {  	v48 =	vld.idx.msk [tilespmem:v48+s12+$0x0], $0xffff;
	v41 =	vadd.s32 v46, v60;
	v33 =	vadd.s32 v57, v59;
	v13 =	vadd.f32 v55, v54  }
0x19d: {  	s29 =	sor.u32 s24, s28;
	[tilespmem:s0+$0x100] =	vst v26;
	v36 =	vld.idx.msk [tilespmem:v36+s12+$0x0], $0xffff;
	v26 =	vmul.f32 v51, v32;
	v32 =	vadd.s32 v46, v35;
	(erf) = vrcp.f32 v39  }
0x19e: {  	v52 =	vld [tilespmem:s14+$0x180];
	[tilespmem:s29+$0x0] =	vst v29;
	v51 =	vmul.f32 v44, v30;
	v30 =	vshll.u32 v47, $0x5;
	(erf) = vrcp.f32 v13  }
0x19f: {  	s21 =	simm.s32 $0x1F20;
	[tilespmem:s0+$0x0] =	vst v56;
	v56 =	vld [tilespmem:s25+$0x180];
	v35 =	vadd.s32 v59, v58;
	v40 =	vadd.s32 v30, v61;
	v47 =	vadd.s32 v30, v53  }
0x1a0: {  	v61 =	vadd.f32 v63, v27;
	v27 =	vld.idx.msk [tilespmem:v23+s11+$0x0], $0xffff;
	[tilespmem:s21+$0x10] =	vst v26;
	v26 =	vmul.f32 v44, v28;
	v28 =	vpop (erf)  }
0x1a1: {  	v53 =	vmul.f32 v43, v16;
	v16 =	vld.idx.msk [tilespmem:v33+s11+$0x0], $0xffff;
	v28 =	vmul.f32 v28, v8;
	v39 =	vadd.s32 v34, v46;
	v29 =	vpop (erf)  }
0x1a2: {  	v36 =	vadd.f32 v36, v48;
	v54 =	vld [tilespmem:s25+$0x100];
	v55 =	vmul.f32 v44, v31;
	v29 =	vmul.f32 v29, v8  }
0x1a3: {  	v44 =	vadd.s32 v50, v30;
	v46 =	vadd.s32 v30, v52;
	v30 =	vld.idx.msk [tilespmem:v32+s11+$0x0], $0xffff;
	v60 =	vadd.f32 v28, v22  }
0x1a4: {  	[tilespmem:s29+$0x100] =	vst v55;
	v55 =	vmul.f32 v21, v7;
	v21 =	vld.idx.msk [tilespmem:v35+s11+$0x0], $0xffff;
	v29 =	vadd.f32 v29, v25  }
0x1a5: {  	v18 =	vmul.f32 v38, v18;
	v28 =	vld.idx.msk [tilespmem:v41+s11+$0x0], $0xffff;
	(erf) = vrcp.f32 v60  }
0x1a6: {  	s30 =	sor.u32 s23, s28;
	v15 =	vmul.f32 v43, v15;
	v49 =	vadd.f32 v61, v36;
	v31 =	vld.idx.msk [tilespmem:v39+s11+$0x0], $0xffff;
	(erf) = vrcp.f32 v29;
	v62 =	vpop (erf)  }
0x1a7: {  	[tilespmem:s30+$0x0] =	vst v24;
	v63 =	vmul.f32 v38, v19;
	v38 =	vmul.f32 v38, v17;
	v17 =	vld.idx.msk [tilespmem:v47+s11+$0x0], $0xffff;
	v24 =	vpop (erf)  }
0x1a8: {  	v36 =	vadd.s32 v59, v56;
	[tilespmem:s29+$0x180] =	vst v26;
	v26 =	vld.idx.msk [tilespmem:v44+s11+$0x0], $0xffff;
	v52 =	vmul.f32 v24, v49  }
0x1a9: {  	s31 =	sor.u32 s22, s28;
	[tilespmem:s30+$0x100] =	vst v18;
	v14 =	vmul.f32 v43, v14;
	v34 =	vadd.s32 v59, v54;
	v19 =	vld.idx.msk [tilespmem:v46+s11+$0x0], $0xffff  }
0x1aa: {  	[tilespmem:s31+$0x80] =	vst v15;
	v15 =	vmul.f32 v25, v7;
	v29 =	vld.idx.msk [tilespmem:v40+s11+$0x0], $0xffff;
	v42 =	vmul.f32 $1.442695020e+00, v52  }
0x1ab: {  	v59 =	vld.idx.msk [tilespmem:v32+s12+$0x0], $0xffff;
	v58 =	vadd.f32 v28, v27;
	v25 =	vmul.f32 v62, v55;
	v57 =	vadd.f32 v30, v31  }
0x1ac: {  	[tilespmem:s29+$0x80] =	vst v51;
	v32 =	vld.idx.msk [tilespmem:v23+s12+$0x0], $0xffff;
	(erf) = vpow2.f32 v42  }
0x1ad: {  	v54 =	vmul.f32 v43, v20;
	v20 =	vld.idx.msk [tilespmem:v36+s11+$0x0], $0xffff;
	[tilespmem:s21+$0xFFFFFFE0] =	vst v25;
	v25 =	vadd.f32 v58, v57  }
0x1ae: {  	[tilespmem:s31+$0x180] =	vst v14;
	v22 =	vmul.f32 v22, v7;
	v18 =	vld.idx.msk [tilespmem:v34+s11+$0x0], $0xffff;
	v14 =	vpop (erf)  }
0x1af: {  	[tilespmem:s30+$0x80] =	vst v63;
	v56 =	vld.idx.msk [tilespmem:v39+s12+$0x0], $0xffff;
	v61 =	vadd.f32 v17, v19;
	v60 =	vadd.f32 v29, v26;
	v23 =	vpop (erf);
	(erf) = vrcp.f32 v25  }
0x1b0: {  	[tilespmem:s30+$0x180] =	vst v38;
	v41 =	vld.idx.msk [tilespmem:v41+s12+$0x0], $0xffff  }
0x1b1: {  	v38 =	vld.idx.msk [tilespmem:v44+s12+$0x0], $0xffff;
	v14 =	vmul.f32 v14, v22;
	v22 =	vmul.f32 v23, v15;
	v23 =	vadd.f32 v61, v60  }
0x1b2: {  	[tilespmem:s31+$0x0] =	vst v53;
	v39 =	vld.idx.msk [tilespmem:v40+s12+$0x0], $0xffff  }
0x1b3: {  	[tilespmem:s31+$0x100] =	vst v54;
	v37 =	vld.idx.msk [tilespmem:v46+s12+$0x0], $0xffff;
	v63 =	vadd.f32 v21, v20;
	v62 =	vadd.f32 v18, v16;
	(erf) = vrcp.f32 v23  }
0x1b4: {  	v40 =	vld.idx.msk [tilespmem:v47+s12+$0x0], $0xffff;
	[tilespmem:s21+$0xFFFFFFF0] =	vst v14;
	v42 =	vadd.f32 v59, v56  }
0x1b5: {  	s23 =	simm.s32 $0x4;
	s22 =	simm.s32 $0x4;
	v15 =	vmul.f32 v25, v7;
	v14 =	vmul.f32 v23, v7;
	[tilespmem:s21+$0x0] =	vst v22;
	v22 =	vadd.f32 v63, v62;
	v43 =	vpop (erf)  }
.LBB2_6:
0x1b6: {  	s23 =	sadd.s32 $0x4, s23;
	v33 =	vld.idx.msk [tilespmem:v33+s12+$0x0], $0xffff;
	v43 =	vmul.f32 v43, v8  }
0x1b7: {  	v41 =	vadd.f32 v41, v32;
	s20 =	sadd.s32 $0x40, s20;
	s0 =	sshll.u32 s23, $0x7;
	v34 =	vld.idx.msk [tilespmem:v34+s12+$0x0], $0xffff;
	v32 =	vmul.f32 v22, v7;
	(erf) = vrcp.f32 v22  }
0x1b8: {  	s1 =	sadd.s32 $0xFFFFFFD0, s20;
	s30 =	sand.u32 $0x70, s20;
	s24 =	sand.u32 $0x3FFFFC00, s0;
	v36 =	vld.idx.msk [tilespmem:v36+s12+$0x0], $0xffff;
	v43 =	vadd.f32 v43, v13;
	v44 =	vpop (erf)  }
0x1b9: {  	s25 =	sadd.s32 $0xFFFFFFF0, s20;
	s0 =	sadd.s32 $0xFFFFFFE0, s20;
	v41 =	vadd.f32 v41, v42;
	v38 =	vadd.f32 v39, v38;
	s26 =	sor.u32 s30, s24;
	v31 =	vmul.f32 v44, v31;
	v35 =	vld.idx.msk [tilespmem:v35+s12+$0x0], $0xffff  }
0x1ba: {  	s13 =	sand.u32 $0x40, s1;
	s31 =	sand.u32 $0x50, s0;
	s0 =	sand.u32 $0x60, s25;
	v30 =	vmul.f32 v44, v30;
	v39 =	vld [tilespmem:s26+$0x0];
	(erf) = vrcp.f32 v43  }
0x1bb: {  	s28 =	sor.u32 s13, s24;
	v27 =	vmul.f32 v44, v27;
	s25 =	sor.u32 s31, s24;
	s24 =	sor.u32 s0, s24;
	v41 =	vmul.f32 v44, v41;
	v37 =	vadd.f32 v40, v37;
	v42 =	vld [tilespmem:s26+$0x80]  }
0x1bc: {  	p0 =	slt.u32 s23, $0x1C;
	v28 =	vmul.f32 v44, v28;
	v40 =	vld [tilespmem:s26+$0x100];
	v43 =	vpop (erf)  }
0x1bd: {  	v45 =	vmul.f32 $1.442695020e+00, v41;
	v37 =	vadd.f32 v37, v38;
	v33 =	vadd.f32 v34, v33;
	v44 =	vld [tilespmem:s26+$0x180]  }
0x1be: {  	s1 =	sshll.u32 s22, $0x6;
	s22 =	smov.u32 s23;
	v26 =	vmul.f32 v43, v26;
	v29 =	vmul.f32 v43, v29;
	v34 =	vld [tilespmem:s26+$0x200]  }
0x1bf: {  	s1 =	sand.u32 $0x3FFFFE00, s1;
	v37 =	vmul.f32 v43, v37;
	v35 =	vadd.f32 v35, v36;
	v38 =	vld [tilespmem:s28+$0x0];
	v39 =	vshll.u32 v39, $0x5  }
0x1c0: {  	v12 =	vmul.f32 v24, v12;
	s26 =	sadd.s32 $0x1700, s1;
	v36 =	vld [tilespmem:s25+$0x0];
	v42 =	vadd.s32 v42, v39;
	(erf) = vpow2.f32 v45;
	v41 =	vpop (erf)  }
0x1c1: {  	v46 =	vmul.f32 v24, v10;
	s1 =	sor.u32 s19, s26;
	s29 =	sor.u32 s18, s26;
	s14 =	sor.u32 s17, s26;
	v33 =	vadd.f32 v35, v33;
	v45 =	vld [tilespmem:s24+$0x0];
	v40 =	vadd.s32 v39, v40  }
0x1c2: {  	v11 =	vmul.f32 v24, v11;
	s26 =	sor.u32 s16, s26;
	s17 =	smov.u32 s30;
	s19 =	smov.u32 s13;
	v35 =	vld [tilespmem:s28+$0x80];
	v44 =	vadd.s32 v39, v44;
	[tilespmem:s14+$0x0] =	vst v12;
	v12 =	vmul.f32 v13, v7  }
0x1c3: {  	v9 =	vmul.f32 v24, v9;
	s18 =	smov.u32 s31;
	s16 =	smov.u32 s0;
	v33 =	vmul.f32 v41, v33;
	v13 =	vld [tilespmem:s28+$0x100];
	v34 =	vadd.s32 v39, v34;
	[tilespmem:s14+$0x80] =	vst v46;
	v10 =	vpop (erf)  }
0x1c4: {  	v37 =	vmul.f32 $1.442695020e+00, v37;
	v24 =	vshll.u32 v38, $0x5;
	v38 =	vld [tilespmem:s28+$0x180];
	[tilespmem:s14+$0x100] =	vst v11;
	v11 =	vmul.f32 v10, v12  }
0x1c5: {  	s21 =	sadd.s32 $0x40, s21;
	v19 =	vmul.f32 v43, v19;
	v33 =	vmul.f32 $1.442695020e+00, v33;
	v36 =	vshll.u32 v36, $0x5;
	v12 =	vld.idx.msk [tilespmem:v42+s11+$0x0], $0xffff;
	[tilespmem:s14+$0x180] =	vst v9  }
0x1c6: {  	v17 =	vmul.f32 v43, v17;
	v39 =	vshll.u32 v45, $0x5;
	v10 =	vld.idx.msk [tilespmem:v40+s11+$0x0], $0xffff;
	[tilespmem:s21+$0x10] =	vst v11;
	(erf) = vpow2.f32 v37  }
0x1c7: {  	v16 =	vmul.f32 v41, v16;
	v37 =	vadd.s32 v35, v24;
	v11 =	vld.idx.msk [tilespmem:v44+s11+$0x0], $0xffff;
	[tilespmem:s1+$0x0] =	vst v31;
	(erf) = vpow2.f32 v33  }
0x1c8: {  	v18 =	vmul.f32 v41, v18;
	v20 =	vmul.f32 v41, v20;
	v43 =	vadd.s32 v24, v13;
	v9 =	vld.idx.msk [tilespmem:v34+s11+$0x0], $0xffff  }
0x1c9: {  	v21 =	vmul.f32 v41, v21;
	v38 =	vadd.s32 v24, v38;
	v13 =	vld [tilespmem:s28+$0x200];
	[tilespmem:s1+$0x80] =	vst v30;
	v30 =	vpop (erf)  }
0x1ca: {  	v31 =	vld [tilespmem:s25+$0x80];
	[tilespmem:s1+$0x100] =	vst v27;
	v27 =	vmul.f32 v30, v8  }
0x1cb: {  	v30 =	vld [tilespmem:s25+$0x100];
	[tilespmem:s1+$0x180] =	vst v28  }
0x1cc: {  	v28 =	vld [tilespmem:s25+$0x180];
	v25 =	vadd.f32 v27, v25;
	[tilespmem:s29+$0x0] =	vst v26  }
0x1cd: {  	v26 =	vld [tilespmem:s25+$0x200];
	[tilespmem:s29+$0x80] =	vst v29  }
0x1ce: {  	v29 =	vadd.f32 v9, v11;
	v41 =	vadd.s32 v24, v13;
	v24 =	vld [tilespmem:s24+$0x80];
	v13 =	vadd.f32 v10, v12;
	[tilespmem:s29+$0x100] =	vst v19  }
0x1cf: {  	v45 =	vadd.s32 v31, v36;
	v19 =	vld.idx.msk [tilespmem:v42+s12+$0x0], $0xffff;
	[tilespmem:s29+$0x180] =	vst v17;
	(erf) = vrcp.f32 v25;
	v17 =	vpop (erf)  }
0x1d0: {  	v42 =	vadd.s32 v36, v30;
	v25 =	vld.idx.msk [tilespmem:v40+s12+$0x0], $0xffff;
	v13 =	vadd.f32 v29, v13;
	v17 =	vmul.f32 v17, v8;
	v27 =	vpop (erf)  }
0x1d1: {  	v40 =	vadd.s32 v36, v28;
	v28 =	vld.idx.msk [tilespmem:v44+s12+$0x0], $0xffff;
	[tilespmem:s26+$0x0] =	vst v16;
	v16 =	vmul.f32 v27, v8  }
0x1d2: {  	v44 =	vadd.s32 v36, v26;
	v26 =	vld.idx.msk [tilespmem:v34+s12+$0x0], $0xffff;
	(erf) = vrcp.f32 v13;
	v17 =	vadd.f32 v17, v23;
	[tilespmem:s26+$0x80] =	vst v18  }
0x1d3: {  	v33 =	vadd.s32 v24, v39;
	v18 =	vld [tilespmem:s24+$0x100];
	[tilespmem:s26+$0x100] =	vst v20;
	v16 =	vadd.f32 v16, v22  }
0x1d4: {  	v20 =	vld [tilespmem:s24+$0x180];
	[tilespmem:s26+$0x180] =	vst v21;
	(erf) = vrcp.f32 v17  }
0x1d5: {  	v17 =	vld [tilespmem:s24+$0x200];
	(erf) = vrcp.f32 v16  }
0x1d6: {  	v31 =	vld.idx.msk [tilespmem:v37+s11+$0x0], $0xffff  }
0x1d7: {  	v30 =	vld.idx.msk [tilespmem:v43+s11+$0x0], $0xffff  }
0x1d8: {  	v16 =	vadd.f32 v25, v19;
	v27 =	vld.idx.msk [tilespmem:v38+s11+$0x0], $0xffff;
	v34 =	vadd.s32 v39, v18;
	v18 =	vadd.f32 v26, v28;
	v19 =	vpop (erf)  }
0x1d9: {  	v28 =	vld.idx.msk [tilespmem:v41+s11+$0x0], $0xffff;
	v36 =	vadd.s32 v39, v20;
	v15 =	vmul.f32 v19, v15  }
0x1da: {  	v26 =	vld.idx.msk [tilespmem:v45+s11+$0x0], $0xffff;
	v35 =	vadd.s32 v39, v17;
	v16 =	vadd.f32 v18, v16  }
0x1db: {  	v29 =	vld.idx.msk [tilespmem:v42+s11+$0x0], $0xffff;
	v24 =	vpop (erf);
	[tilespmem:s21+$0xFFFFFFE0] =	vst v15  }
0x1dc: {  	v19 =	vld.idx.msk [tilespmem:v40+s11+$0x0], $0xffff;
	v15 =	vmul.f32 v24, v16  }
0x1dd: {  	v21 =	vadd.f32 v30, v31;
	v17 =	vld.idx.msk [tilespmem:v44+s11+$0x0], $0xffff;
	v18 =	vpop (erf)  }
0x1de: {  	v16 =	vld.idx.msk [tilespmem:v33+s11+$0x0], $0xffff;
	v15 =	vmul.f32 $1.442695020e+00, v15;
	v14 =	vmul.f32 v18, v14;
	v20 =	vpop (erf)  }
0x1df: {  	v22 =	vadd.f32 v28, v27;
	v18 =	vld.idx.msk [tilespmem:v34+s11+$0x0], $0xffff;
	v23 =	vmul.f32 v20, v32  }
0x1e0: {  	v20 =	vld.idx.msk [tilespmem:v36+s11+$0x0], $0xffff;
	(erf) = vpow2.f32 v15;
	[tilespmem:s21+$0xFFFFFFF0] =	vst v14  }
0x1e1: {  	v25 =	vadd.f32 v22, v21;
	v14 =	vadd.f32 v29, v26;
	v21 =	vld.idx.msk [tilespmem:v35+s11+$0x0], $0xffff;
	[tilespmem:s21+$0x0] =	vst v23  }
0x1e2: {  	v22 =	vld.idx.msk [tilespmem:v37+s12+$0x0], $0xffff  }
0x1e3: {  	v15 =	vmul.f32 v25, v7;
	v23 =	vadd.f32 v17, v19;
	v43 =	vld.idx.msk [tilespmem:v43+s12+$0x0], $0xffff;
	(erf) = vrcp.f32 v25  }
0x1e4: {  	v32 =	vld.idx.msk [tilespmem:v38+s12+$0x0], $0xffff  }
.Ltmp2:
0x1e5: {  	v23 =	vadd.f32 v23, v14;
	v46 =	vadd.f32 v18, v16;
	v41 =	vld.idx.msk [tilespmem:v41+s12+$0x0], $0xffff;
	(pc) =	sbr.rel @p0 .LBB2_6-.Ltmp2, $4  }
0x1e6: {  	v38 =	vld.idx.msk [tilespmem:v45+s12+$0x0], $0xffff  }
0x1e7: {  	v14 =	vmul.f32 v23, v7;
	v45 =	vadd.f32 v21, v20;
	v39 =	vld.idx.msk [tilespmem:v42+s12+$0x0], $0xffff;
	(erf) = vrcp.f32 v23  }
0x1e8: {  	v37 =	vld.idx.msk [tilespmem:v40+s12+$0x0], $0xffff  }
0x1e9: {  	v42 =	vadd.f32 v43, v22;
	v22 =	vadd.f32 v45, v46;
	v40 =	vld.idx.msk [tilespmem:v44+s12+$0x0], $0xffff;
	v43 =	vpop (erf)  }
0x1ea: {  	_ =	sdelay $0x3  }
0x1eb: {  	v33 =	vld.idx.msk [tilespmem:v33+s12+$0x0], $0xffff  }
0x1ec: {  	v34 =	vld.idx.msk [tilespmem:v34+s12+$0x0], $0xffff  }
0x1ed: {  	v36 =	vld.idx.msk [tilespmem:v36+s12+$0x0], $0xffff;
	(erf) = vrcp.f32 v22  }
0x1ee: {  	v35 =	vld.idx.msk [tilespmem:v35+s12+$0x0], $0xffff  }
0x1ef: {  	v32 =	vadd.f32 v41, v32;
	_ =	sdelay $0x1  }
0x1f0: {  	v32 =	vadd.f32 v32, v42  }
0x1f1: {  	v38 =	vadd.f32 v39, v38;
	v37 =	vadd.f32 v40, v37  }
0x1f2: {  	v33 =	vadd.f32 v34, v33;
	v57 =	vadd.f32 v35, v36  }
0x1f3: {  	v58 =	vmul.f32 v43, v8;
	v59 =	vpop (erf);
	v37 =	vadd.f32 v37, v38  }
0x1f4: {  	v32 =	vmul.f32 v59, v32;
	v60 =	vpop (erf);
	v33 =	vadd.f32 v57, v33  }
0x1f5: {  	v61 =	vadd.f32 v58, v13;
	v62 =	vmul.f32 v60, v37;
	v63 =	vpop (erf)  }
0x1f6: {  	v32 =	vmul.f32 $1.442695020e+00, v32;
	v33 =	vmul.f32 v63, v33  }
0x1f7: {  	(erf) = vrcp.f32 v61;
	v40 =	vmul.f32 $1.442695020e+00, v62  }
0x1f8: {  	(erf) = vpow2.f32 v32;
	v41 =	vmul.f32 $1.442695020e+00, v33  }
0x1f9: {  	(erf) = vpow2.f32 v40  }
0x1fa: {  	(erf) = vpow2.f32 v41;
	_ =	sdelay $0x2  }
0x1fb: {  	s0 =	sshll.u32 s22, $0x6  }
0x1fc: {  	s0 =	sand.u32 $0x3FFFFE00, s0  }
0x1fd: {  	v12 =	vmul.f32 v24, v12;
	s0 =	sadd.s32 $0x1700, s0  }
0x1fe: {  	v10 =	vmul.f32 v24, v10;
	s1 =	sor.u32 s17, s0;
	v42 =	vpop (erf)  }
0x1ff: {  	v11 =	vmul.f32 v24, v11;
	[tilespmem:s1+$0x0] =	vst v12;
	v44 =	vpop (erf)  }
0x200: {  	v9 =	vmul.f32 v24, v9;
	[tilespmem:s1+$0x80] =	vst v10;
	v45 =	vmul.f32 v44, v8;
	v46 =	vpop (erf)  }
0x201: {  	v50 =	vmul.f32 v59, v31;
	[tilespmem:s1+$0x100] =	vst v11;
	v48 =	vmul.f32 v46, v8;
	v49 =	vpop (erf)  }
0x202: {  	v52 =	vmul.f32 v59, v30;
	s13 =	sor.u32 s19, s0;
	[tilespmem:s1+$0x180] =	vst v9;
	v51 =	vadd.f32 v45, v25;
	v8 =	vmul.f32 v49, v8  }
0x203: {  	v54 =	vmul.f32 v59, v27;
	[tilespmem:s13+$0x0] =	vst v50;
	v53 =	vadd.f32 v48, v23  }
0x204: {  	v55 =	vmul.f32 v59, v28;
	[tilespmem:s13+$0x80] =	vst v52;
	(erf) = vrcp.f32 v51;
	v8 =	vadd.f32 v8, v22  }
0x205: {  	[tilespmem:s13+$0x100] =	vst v54;
	v56 =	vmul.f32 v60, v26;
	(erf) = vrcp.f32 v53  }
0x206: {  	s14 =	sor.u32 s18, s0;
	[tilespmem:s13+$0x180] =	vst v55;
	v57 =	vmul.f32 v60, v19;
	(erf) = vrcp.f32 v8  }
0x207: {  	v58 =	vmul.f32 v60, v17;
	[tilespmem:s14+$0x0] =	vst v56  }
0x208: {  	v43 =	vmul.f32 v13, v7;
	[tilespmem:s14+$0x100] =	vst v57;
	v59 =	vmul.f32 v63, v18  }
0x209: {  	s0 =	sor.u32 s16, s0;
	[tilespmem:s14+$0x180] =	vst v58;
	v8 =	vmul.f32 v60, v29  }
0x20a: {  	[tilespmem:s0+$0x80] =	vst v59;
	v47 =	vmul.f32 v42, v43  }
0x20b: {  	s29 =	sadd.s32 $0x40, s21;
	[tilespmem:s14+$0x80] =	vst v8;
	v8 =	vmul.f32 v63, v16  }
0x20c: {  	[tilespmem:s29+$0x10] =	vst v47;
	v60 =	vmul.f32 v63, v20  }
0x20d: {  	v61 =	vpop (erf);
	[tilespmem:s0+$0x0] =	vst v8;
	v8 =	vmul.f32 v63, v21  }
0x20e: {  	v7 =	vmul.f32 v22, v7;
	[tilespmem:s0+$0x100] =	vst v60;
	v9 =	vmul.f32 v61, v15;
	v62 =	vpop (erf)  }
0x20f: {  	[tilespmem:s0+$0x180] =	vst v8;
	v8 =	vmul.f32 v62, v14;
	v63 =	vpop (erf)  }
0x210: {  	[tilespmem:s29+$0xFFFFFFE0] =	vst v9;
	v7 =	vmul.f32 v63, v7  }
0x211: {  	[tilespmem:s29+$0xFFFFFFF0] =	vst v8  }
0x212: {  	s30 =	simm.s32 $0x1700;
	[tilespmem:s29+$0x0] =	vst v7  }
0x213: {  	[hbm4b:s5+s2] =	stream.linear.scatter [tilespmem:s30], [sflag:$0x2], $0x800, $0x38;
	[tilespmem:$0x2100] =	vst v63  }
0x214: {  	s15 =	sadd.s32 $0x1, s15;
	_ =	swait.ge [sflag:s9], $0x800  }
0x215: {  	p0 =	sne.s32 s15, s7;
	[sflag:s9] =	ssyncset.done $0x0  }
.Ltmp3:
0x216: {  	s31 =	simm.s32 $0x1F00;
	[sflag:s9] =	ssyncadd.s32 $0xFFFFF800;
	(pc) =	sbr.rel @p0 .LBB2_1-.Ltmp3, $4  }
0x217: {  	[hbm4b:s6+s2] =	stream.linear.scatter [tilespmem:s31], [sflag:$0x2], $0x200, $0x38;
	[tilespmem:$0x2100] =	vst v63  }
0x218: {  	_ =	swait.ge [sflag:s9], $0x200  }
0x219: {  	[sflag:s9] =	ssyncset.done $0x0  }
0x21a: {  	[sflag:s9] =	ssyncadd.s32 $0xFFFFFE00  }
0x21b: {  	_ =	sfence.sel $0x180000  }
0x21c: {  	[bflag:$0x0] =	sbarrier.arrive $0xFFFF  }
0x21d: {  	_ =	strace $0x90000047  }
0x21e: {  	s0 =	stileid.u32;
	[bflag:$0x2] =	sbarrier.arrive $0xFFFF  }
0x21f: {  	p0 =	sne.s32 s0, $0x0;
	s0 =	rddreg [dreg:$0x3]  }
0x220: {  	s0 =	sadd.s32 @!p0 $0x100000, s0  }
0x221: {  	[sflag:s0] =	ssyncadd.tile.s32 @!p0 $0x1;
	_ =	shalt  }
.Lfunc_end2:
_tile_overlayer_lowered:
.L_overlay_start_2:
0x222: {  	(tag) =	ssettag $0x2  }
0x223: {  	s0 =	rddreg [dreg:$0x0];
	s2 =	stileid.u32  }
0x224: {  	s1 =	rddreg [dreg:$0x1];
	p0 =	sne.s32 s2, $0x0  }
0x225: {  	s3 =	rddreg [dreg:$0x2];
	[bflag:$0x3] =	sbarrier.arrive $0xFFFF;
	s2 =	simm.s32 @!p0 $0x1C02  }
0x226: {  	[timem:s3], [sflag:s2] =	dma.local @!p0 [hbm:s0], s1  }
0x227: {  	s0 =	simm.s32 @!p0 $0x2  }
0x228: {  	_ =	swait.ge @!p0 [sflag:s0], s1  }
0x229: {  	s1 =	ssub.s32 @!p0 $0x0, s1;
	[sflag:s0] =	ssyncset.done @!p0 $0x0  }
0x22a: {  	[sflag:s0] =	ssyncadd.s32 @!p0 s1  }
0x22b: {  	[bflag:$0x3] =	sbarrier.arrive $0xFFFF  }
0x22c: {  	_ =	shalt  }

</sc_bundles>
